<compile_context>
chip_gen: v7x
topology: tpu7x:2x2x1
jax: 0.10.2.dev20260603
libtpu: 0.0.44.dev20260713+nightly
codegen_flags: <defaults>
</compile_context>

<pallas_src>
import jax
import jax.numpy as jnp
from jax import lax
from jax.experimental import pallas as pl
from jax.experimental.pallas import tpu as pltpu
from jax.experimental.pallas import tpu_sc as plsc

N = 10000
NP = 10240
E = 320000
EP = 327680
NC = 2
NS = 16
RPT = NP // NS
C = 128
K = EP // (NC * NS * C)
DEG_W = 16
R = 1024


def _sc_mesh():
    return plsc.VectorSubcoreMesh(core_axis_name="c", subcore_axis_name="s")


def _deg_body(dst_hbm, ones_hbm, zeros_hbm, out_hbm, acc_sh, ones_v, dst_v, sem):
    c = lax.axis_index("c")
    s = lax.axis_index("s")
    r0 = s * RPT

    pltpu.sync_copy(ones_hbm, ones_v)
    pltpu.sync_copy(zeros_hbm.at[pl.ds(r0, RPT)], acc_sh.at[pl.ds(r0, RPT)])
    rowbase = (c * NS + s) * K
    pltpu.sync_copy(dst_hbm.at[pl.ds(rowbase, K)], dst_v)
    plsc.subcore_barrier()

    def body(j, carry):
        pltpu.sync_copy(ones_v, acc_sh.at[dst_v.at[j]], add=True)
        return carry

    lax.fori_loop(0, K, body, 0)
    plsc.subcore_barrier()
    pltpu.sync_copy(acc_sh.at[pl.ds(r0, RPT)],
                    out_hbm.at[pl.ds(c * NP + r0, RPT)])


def _deg_call(dst2d, zeros16):
    ones = jnp.ones((C, DEG_W), jnp.float32)
    kern = pl.kernel(
        _deg_body,
        out_type=jax.ShapeDtypeStruct((NC * NP, DEG_W), jnp.float32),
        mesh=_sc_mesh(),
        compiler_params=pltpu.CompilerParams(use_tc_tiling_on_sc=False),
        scratch_types=[
            pltpu.VMEM_SHARED((NP, DEG_W), jnp.float32),
            pltpu.VMEM((C, DEG_W), jnp.float32),
            pltpu.VMEM((K, C), jnp.int32),
            pltpu.SemaphoreType.DMA,
        ],
        name="gcn_degree_sc",
    )
    return kern(dst2d, ones, zeros16)


def _scatter_body(hs_hbm, src_hbm, dst_hbm, zeros_hbm, out_hbm,
                  table_sh, acc_sh, rows0_v, rows1_v, src_v, dst_v, sem0, sem1):
    c = lax.axis_index("c")
    s = lax.axis_index("s")
    r0 = s * RPT
    pltpu.sync_copy(hs_hbm.at[pl.ds(r0, RPT)], table_sh.at[pl.ds(r0, RPT)])
    pltpu.sync_copy(zeros_hbm.at[pl.ds(r0, RPT)], acc_sh.at[pl.ds(r0, RPT)])
    rowbase = (c * NS + s) * K
    pltpu.sync_copy(src_hbm.at[pl.ds(rowbase, K)], src_v)
    pltpu.sync_copy(dst_hbm.at[pl.ds(rowbase, K)], dst_v)
    plsc.subcore_barrier()

    pltpu.async_copy(table_sh.at[src_v.at[0]], rows0_v, sem0)

    def body(t, carry):
        j = 2 * t
        pltpu.async_copy(table_sh.at[src_v.at[j + 1]], rows1_v, sem1)
        pltpu.make_async_copy(table_sh.at[src_v.at[j]], rows0_v, sem0).wait()
        pltpu.sync_copy(rows0_v, acc_sh.at[dst_v.at[j]], add=True)

        @pl.when(t + 1 < K // 2)
        def _():
            pltpu.async_copy(table_sh.at[src_v.at[j + 2]], rows0_v, sem0)

        pltpu.make_async_copy(table_sh.at[src_v.at[j + 1]], rows1_v, sem1).wait()
        pltpu.sync_copy(rows1_v, acc_sh.at[dst_v.at[j + 1]], add=True)
        return carry

    lax.fori_loop(0, K // 2, body, 0)
    plsc.subcore_barrier()
    pltpu.sync_copy(acc_sh.at[pl.ds(r0, RPT)],
                    out_hbm.at[pl.ds(c * NP + r0, RPT)])


def _scatter_call(hs, src2d, dst2d, zeros64):
    kern = pl.kernel(
        _scatter_body,
        out_type=jax.ShapeDtypeStruct((NC * NP, 64), jnp.float32),
        mesh=_sc_mesh(),
        compiler_params=pltpu.CompilerParams(use_tc_tiling_on_sc=False),
        scratch_types=[
            pltpu.VMEM_SHARED((NP, 64), jnp.float32),
            pltpu.VMEM_SHARED((NP, 64), jnp.float32),
            pltpu.VMEM((C, 64), jnp.float32),
            pltpu.VMEM((C, 64), jnp.float32),
            pltpu.VMEM((K, C), jnp.int32),
            pltpu.VMEM((K, C), jnp.int32),
            pltpu.SemaphoreType.DMA,
            pltpu.SemaphoreType.DMA,
        ],
        name="gcn_edge_scatter_sc",
    )
    return kern(hs, src2d, dst2d, zeros64)


def _tc_a_body(dp0_ref, dp1_ref, x_ref, w_ref, h1s_ref, dis_ref):
    deg = 1.0 + dp0_ref[:, 0:1] + dp1_ref[:, 0:1]
    dis = lax.rsqrt(deg)
    h = jnp.dot(x_ref[:], w_ref[:], preferred_element_type=jnp.float32)
    h1s_ref[:] = h * dis
    dis_ref[:] = dis


def _tc_a(dp0, dp1, x, w1):
    return pl.pallas_call(
        _tc_a_body,
        grid=(NP // R,),
        in_specs=[
            pl.BlockSpec((R, DEG_W), lambda i: (i, 0)),
            pl.BlockSpec((R, DEG_W), lambda i: (i, 0)),
            pl.BlockSpec((R, 128), lambda i: (i, 0)),
            pl.BlockSpec((128, 64), lambda i: (0, 0)),
        ],
        out_specs=[
            pl.BlockSpec((R, 64), lambda i: (i, 0)),
            pl.BlockSpec((R, 1), lambda i: (i, 0)),
        ],
        out_shape=[
            jax.ShapeDtypeStruct((NP, 64), jnp.float32),
            jax.ShapeDtypeStruct((NP, 1), jnp.float32),
        ],
        name="gcn_l1_matmul_tc",
    )(dp0, dp1, x, w1)


def _tc_b_body(h1s_ref, p0_ref, p1_ref, dis_ref, b1_ref, w_ref, out_ref):
    agg = h1s_ref[:] + p0_ref[:] + p1_ref[:]
    z = jnp.maximum(agg * dis_ref[:] + b1_ref[:], 0.0)
    out_ref[:] = jnp.dot(z, w_ref[:], preferred_element_type=jnp.float32) * dis_ref[:]


def _tc_b(h1s, p0, p1, dis, b1, w23):
    return pl.pallas_call(
        _tc_b_body,
        grid=(NP // R,),
        in_specs=[
            pl.BlockSpec((R, 64), lambda i: (i, 0)),
            pl.BlockSpec((R, 64), lambda i: (i, 0)),
            pl.BlockSpec((R, 64), lambda i: (i, 0)),
            pl.BlockSpec((R, 1), lambda i: (i, 0)),
            pl.BlockSpec((1, 64), lambda i: (0, 0)),
            pl.BlockSpec((64, 64), lambda i: (0, 0)),
        ],
        out_specs=pl.BlockSpec((R, 64), lambda i: (i, 0)),
        out_shape=jax.ShapeDtypeStruct((NP, 64), jnp.float32),
        name="gcn_l23_matmul_tc",
    )(h1s, p0, p1, dis, b1, w23)


def _tc_c_body(h23s_ref, q0_ref, q1_ref, dis_ref, b23_ref, out_ref):
    agg = h23s_ref[:] + q0_ref[:] + q1_ref[:]
    out_ref[:] = agg * dis_ref[:] + b23_ref[:]


def _tc_c(h23s, q0, q1, dis, b23):
    return pl.pallas_call(
        _tc_c_body,
        grid=(NP // R,),
        in_specs=[
            pl.BlockSpec((R, 64), lambda i: (i, 0)),
            pl.BlockSpec((R, 64), lambda i: (i, 0)),
            pl.BlockSpec((R, 64), lambda i: (i, 0)),
            pl.BlockSpec((R, 1), lambda i: (i, 0)),
            pl.BlockSpec((1, 64), lambda i: (0, 0)),
        ],
        out_specs=pl.BlockSpec((R, 64), lambda i: (i, 0)),
        out_shape=jax.ShapeDtypeStruct((NP, 64), jnp.float32),
        name="gcn_out_scale_tc",
    )(h23s, q0, q1, dis, b23)


def kernel(x, edge_index, W1, b1, W2, b2, W3, b3):
    pad = jnp.full((EP - E,), N, jnp.int32)
    src2d = jnp.concatenate([edge_index[0].astype(jnp.int32), pad]).reshape(-1, C)
    dst2d = jnp.concatenate([edge_index[1].astype(jnp.int32), pad]).reshape(-1, C)
    zeros16 = jnp.zeros((NP, DEG_W), jnp.float32)
    zeros64 = jnp.zeros((NP, 64), jnp.float32)
    xp = jnp.zeros((NP, 128), jnp.float32).at[:N].set(x)
    w23 = jnp.concatenate([W2, W3], axis=1)
    b23 = jnp.concatenate([b2, b3])[None, :]
    b1r = b1[None, :]

    degp = _deg_call(dst2d, zeros16)
    h1s, dis = _tc_a(degp[:NP], degp[NP:], xp, W1)
    sp = _scatter_call(h1s, src2d, dst2d, zeros64)
    h23s = _tc_b(h1s, sp[:NP], sp[NP:], dis, b1r, w23)
    qp = _scatter_call(h23s, src2d, dst2d, zeros64)
    out = _tc_c(h23s, qp[:NP], qp[NP:], dis, b23)
    return out[:N, :32], out[:N, 32:]

# --- scband reference (transcript-rebuilt; emitter-appended) ---
"""Pipeline reference for scband-variational-gcnencoder-9801115369952 (READ-ONLY COPY).

The authoritative reference and input builder live on the scoring server;
editing this copy changes nothing except your own understanding.
"""

import jax, jax.numpy as jnp
import numpy as np

N_NODES = 10000
N_EDGES = 320000
IN_CH = 128
HID_CH = 64
OUT_CH = 32


def gcn_conv(x, edge_index, W, b):
    N = x.shape[0]
    loop = jnp.arange(N, dtype=edge_index.dtype)
    src = jnp.concatenate([edge_index[0], loop])
    dst = jnp.concatenate([edge_index[1], loop])
    deg = jnp.zeros((N,), dtype=x.dtype).at[dst].add(1.0)
    deg_inv_sqrt = jnp.where(deg > 0, deg ** -0.5, 0.0)
    norm = deg_inv_sqrt[src] * deg_inv_sqrt[dst]
    h = x @ W
    msg = h[src] * norm[:, None]
    out = jnp.zeros((N, W.shape[1]), dtype=x.dtype).at[dst].add(msg)
    return out + b


def setup_inputs(seed: int = 0) -> dict:
    key = jax.random.key(seed)
    k = jax.random.split(key, 8)
    x = jax.random.normal(k[0], (N_NODES, IN_CH), dtype=jnp.float32)
    edge_index = jax.random.randint(k[1], (2, N_EDGES), 0, N_NODES, dtype=jnp.int64)
    s1 = (1.0 / IN_CH) ** 0.5
    s2 = (1.0 / HID_CH) ** 0.5
    W1 = jax.random.uniform(k[2], (IN_CH, HID_CH), jnp.float32, -s1, s1)
    b1 = jnp.zeros((HID_CH,), jnp.float32)
    W2 = jax.random.uniform(k[3], (HID_CH, OUT_CH), jnp.float32, -s2, s2)
    b2 = jnp.zeros((OUT_CH,), jnp.float32)
    W3 = jax.random.uniform(k[4], (HID_CH, OUT_CH), jnp.float32, -s2, s2)
    b3 = jnp.zeros((OUT_CH,), jnp.float32)
    return {"x": x, "edge_index": edge_index, "W1": W1, "b1": b1, "W2": W2, "b2": b2, "W3": W3, "b3": b3}


def reference(x, edge_index, W1, b1, W2, b2, W3, b3):
    h = jax.nn.relu(gcn_conv(x, edge_index, W1, b1))
    mu = gcn_conv(h, edge_index, W2, b2)
    logvar = gcn_conv(h, edge_index, W3, b3)
    return (mu, logvar)

if __name__ == "__main__":
    import jax
    _d = setup_inputs()
    print(jax.jit(kernel)(*tuple(_d.values())))

</pallas_src>

<mosaic_0001>
#map = affine_map<(d0, d1) -> (0, 0)>
module attributes {stable_mosaic.version = 14 : i64} {
  func.func @gcn_degree_sc(%arg0: i32, %arg1: i32, %arg2: memref<2560x128xi32, #tpu.memory_space<hbm>>, %arg3: memref<128x16xf32, #tpu.memory_space<hbm>>, %arg4: memref<10240x16xf32, #tpu.memory_space<hbm>>, %arg5: memref<20480x16xf32, #tpu.memory_space<hbm>>, %arg6: memref<10240x16xf32, #tpu.memory_space<vmem_shared>>, %arg7: memref<128x16xf32, #tpu.memory_space<vmem>>, %arg8: memref<80x128xi32, #tpu.memory_space<vmem>>, %arg9: memref<!tpu.dma_semaphore, #tpu.memory_space<semaphore_mem>>) attributes {dimension_semantics = [#tpu.dimension_semantics<core_parallel>, #tpu.dimension_semantics<subcore_parallel>], iteration_bounds = array<i64: 2, 16>, scalar_prefetch = 0 : i64, scratch_operands = 4 : i64, tpu.core_type = #tpu.core_type<sc_vector_subcore>, window_params = [{transform_indices = #map}, {transform_indices = #map}, {transform_indices = #map}, {transform_indices = #map}]} {
    %mul3A = arith.constant 640 : i32
    %mul3A_0 = arith.muli %arg1, %mul3A : i32
    "tpu.region"() ({
      %run_scoped3A = tpu.sem_alloc : memref<!tpu.dma_semaphore, #tpu.memory_space<semaphore_mem>>
      tpu.enqueue_dma source(%arg3 : memref<128x16xf32, #tpu.memory_space<hbm>>) target(%arg7 : memref<128x16xf32, #tpu.memory_space<vmem>>) target_semaphore(%run_scoped3A : memref<!tpu.dma_semaphore, #tpu.memory_space<semaphore_mem>>)
      tpu.wait_dma2 semaphore(%run_scoped3A : memref<!tpu.dma_semaphore, #tpu.memory_space<semaphore_mem>>) src(%arg3 : memref<128x16xf32, #tpu.memory_space<hbm>>) dst(%arg7 : memref<128x16xf32, #tpu.memory_space<vmem>>)
      tpu.yield
    }) : () -> ()
    "tpu.region"() ({
      %run_scoped3A = tpu.sem_alloc : memref<!tpu.dma_semaphore, #tpu.memory_space<semaphore_mem>>
      %dma_start3A = arith.constant 0 : i32
      %dma_start3A_14 = tpu.memref_slice %arg6[%mul3A_0, %dma_start3A] : memref<10240x16xf32, #tpu.memory_space<vmem_shared>> -> memref<640x16xf32, #tpu.memory_space<vmem_shared>>
      %dma_start3A_15 = arith.constant 0 : i32
      %dma_start3A_16 = tpu.memref_slice %arg4[%mul3A_0, %dma_start3A_15] : memref<10240x16xf32, #tpu.memory_space<hbm>> -> memref<640x16xf32, #tpu.memory_space<hbm>>
      tpu.enqueue_dma source(%dma_start3A_16 : memref<640x16xf32, #tpu.memory_space<hbm>>) target(%dma_start3A_14 : memref<640x16xf32, #tpu.memory_space<vmem_shared>>) target_semaphore(%run_scoped3A : memref<!tpu.dma_semaphore, #tpu.memory_space<semaphore_mem>>)
      %dma_wait3A = arith.constant 0 : i32
      %dma_wait3A_17 = tpu.memref_slice %arg6[%mul3A_0, %dma_wait3A] : memref<10240x16xf32, #tpu.memory_space<vmem_shared>> -> memref<640x16xf32, #tpu.memory_space<vmem_shared>>
      %dma_wait3A_18 = arith.constant 0 : i32
      %dma_wait3A_19 = tpu.memref_slice %arg4[%mul3A_0, %dma_wait3A_18] : memref<10240x16xf32, #tpu.memory_space<hbm>> -> memref<640x16xf32, #tpu.memory_space<hbm>>
      tpu.wait_dma2 semaphore(%run_scoped3A : memref<!tpu.dma_semaphore, #tpu.memory_space<semaphore_mem>>) src(%dma_wait3A_19 : memref<640x16xf32, #tpu.memory_space<hbm>>) dst(%dma_wait3A_17 : memref<640x16xf32, #tpu.memory_space<vmem_shared>>)
      tpu.yield
    }) : () -> ()
    %mul3A_1 = arith.constant 16 : i32
    %mul3A_2 = arith.muli %arg0, %mul3A_1 : i32
    %add3A = arith.addi %mul3A_2, %arg1 : i32
    %mul3A_3 = arith.constant 80 : i32
    %mul3A_4 = arith.muli %add3A, %mul3A_3 : i32
    "tpu.region"() ({
      %run_scoped3A = tpu.sem_alloc : memref<!tpu.dma_semaphore, #tpu.memory_space<semaphore_mem>>
      %dma_start3A = arith.constant 0 : i32
      %dma_start3A_14 = tpu.memref_slice %arg2[%mul3A_4, %dma_start3A] : memref<2560x128xi32, #tpu.memory_space<hbm>> -> memref<80x128xi32, #tpu.memory_space<hbm>>
      %dma_start3A_15 = arith.constant 0 : i32
      %dma_start3A_16 = tpu.memref_slice %arg2[%mul3A_4, %dma_start3A_15] : memref<2560x128xi32, #tpu.memory_space<hbm>> -> memref<80x128xi32, #tpu.memory_space<hbm>>
      tpu.enqueue_dma source(%dma_start3A_16 : memref<80x128xi32, #tpu.memory_space<hbm>>) target(%arg8 : memref<80x128xi32, #tpu.memory_space<vmem>>) target_semaphore(%run_scoped3A : memref<!tpu.dma_semaphore, #tpu.memory_space<semaphore_mem>>)
      %dma_wait3A = arith.constant 0 : i32
      %dma_wait3A_17 = tpu.memref_slice %arg2[%mul3A_4, %dma_wait3A] : memref<2560x128xi32, #tpu.memory_space<hbm>> -> memref<80x128xi32, #tpu.memory_space<hbm>>
      %dma_wait3A_18 = arith.constant 0 : i32
      %dma_wait3A_19 = tpu.memref_slice %arg2[%mul3A_4, %dma_wait3A_18] : memref<2560x128xi32, #tpu.memory_space<hbm>> -> memref<80x128xi32, #tpu.memory_space<hbm>>
      tpu.wait_dma2 semaphore(%run_scoped3A : memref<!tpu.dma_semaphore, #tpu.memory_space<semaphore_mem>>) src(%dma_wait3A_19 : memref<80x128xi32, #tpu.memory_space<hbm>>) dst(%arg8 : memref<80x128xi32, #tpu.memory_space<vmem>>)
      tpu.yield
    }) : () -> ()
    %barrier3A = arith.constant 0 : index
    tpu.barrier barrier_id(%barrier3A)
    %scan3A = arith.constant 0 : i32
    %scan3A_5 = arith.constant 0 : i32
    %scan3A_6 = arith.constant 80 : i32
    %scan3A_7 = arith.addi %scan3A_5, %scan3A_6 : i32
    %scan3A_8 = arith.constant 1 : i32
    scf.for %scan3A_14 = %scan3A_5 to %scan3A_7 step %scan3A_8  : i32 {
      "tpu.region"() ({
        %run_scoped3A = tpu.sem_alloc : memref<!tpu.dma_semaphore, #tpu.memory_space<semaphore_mem>>
        %dma_start3A = arith.constant 0 : i32
        %dma_start3A_15 = tpu.memref_slice %arg8[%scan3A_14, %dma_start3A] : memref<80x128xi32, #tpu.memory_space<vmem>> -> memref<1x128xi32, #tpu.memory_space<vmem>>
        %dma_start3A_16 = tpu.memref_squeeze %dma_start3A_15 : memref<1x128xi32, #tpu.memory_space<vmem>> -> memref<128xi32, #tpu.memory_space<vmem>>
        %dma_start3A_17 = arith.constant 0 : i32
        %dma_start3A_18 = arith.constant 0 : i32
        %dma_start3A_19 = tpu.memref_slice %arg6[%dma_start3A_17, %dma_start3A_18] : memref<10240x16xf32, #tpu.memory_space<vmem_shared>> -> memref<10240x16xf32, #tpu.memory_space<vmem_shared>>
        tpu.enqueue_indirect_dma source(%arg7 : memref<128x16xf32, #tpu.memory_space<vmem>>) target(%dma_start3A_19 : memref<10240x16xf32, #tpu.memory_space<vmem_shared>>) offsets(%dma_start3A_16 : memref<128xi32, #tpu.memory_space<vmem>>) semaphore(%run_scoped3A : memref<!tpu.dma_semaphore, #tpu.memory_space<semaphore_mem>>) {add = true}
        %dma_wait3A = arith.constant 0 : i32
        %dma_wait3A_20 = tpu.memref_slice %arg8[%scan3A_14, %dma_wait3A] : memref<80x128xi32, #tpu.memory_space<vmem>> -> memref<1x128xi32, #tpu.memory_space<vmem>>
        %dma_wait3A_21 = tpu.memref_squeeze %dma_wait3A_20 : memref<1x128xi32, #tpu.memory_space<vmem>> -> memref<128xi32, #tpu.memory_space<vmem>>
        %dma_wait3A_22 = arith.constant 0 : i32
        %dma_wait3A_23 = arith.constant 0 : i32
        %dma_wait3A_24 = tpu.memref_slice %arg6[%dma_wait3A_22, %dma_wait3A_23] : memref<10240x16xf32, #tpu.memory_space<vmem_shared>> -> memref<10240x16xf32, #tpu.memory_space<vmem_shared>>
        tpu.wait_indirect_dma semaphore(%run_scoped3A : memref<!tpu.dma_semaphore, #tpu.memory_space<semaphore_mem>>) src(%arg7 : memref<128x16xf32, #tpu.memory_space<vmem>>) dst(%dma_wait3A_24 : memref<10240x16xf32, #tpu.memory_space<vmem_shared>>)
        tpu.yield
      }) : () -> ()
    }
    %scan3A_9 = arith.constant 80 : i32
    %barrier3A_10 = arith.constant 0 : index
    tpu.barrier barrier_id(%barrier3A_10)
    %mul3A_11 = arith.constant 10240 : i32
    %mul3A_12 = arith.muli %arg0, %mul3A_11 : i32
    %add3A_13 = arith.addi %mul3A_12, %mul3A_0 : i32
    "tpu.region"() ({
      %run_scoped3A = tpu.sem_alloc : memref<!tpu.dma_semaphore, #tpu.memory_space<semaphore_mem>>
      %dma_start3A = arith.constant 0 : i32
      %dma_start3A_14 = tpu.memref_slice %arg5[%add3A_13, %dma_start3A] : memref<20480x16xf32, #tpu.memory_space<hbm>> -> memref<640x16xf32, #tpu.memory_space<hbm>>
      %dma_start3A_15 = arith.constant 0 : i32
      %dma_start3A_16 = tpu.memref_slice %arg6[%mul3A_0, %dma_start3A_15] : memref<10240x16xf32, #tpu.memory_space<vmem_shared>> -> memref<640x16xf32, #tpu.memory_space<vmem_shared>>
      tpu.enqueue_dma source(%dma_start3A_16 : memref<640x16xf32, #tpu.memory_space<vmem_shared>>) target(%dma_start3A_14 : memref<640x16xf32, #tpu.memory_space<hbm>>) target_semaphore(%run_scoped3A : memref<!tpu.dma_semaphore, #tpu.memory_space<semaphore_mem>>)
      %dma_wait3A = arith.constant 0 : i32
      %dma_wait3A_17 = tpu.memref_slice %arg5[%add3A_13, %dma_wait3A] : memref<20480x16xf32, #tpu.memory_space<hbm>> -> memref<640x16xf32, #tpu.memory_space<hbm>>
      %dma_wait3A_18 = arith.constant 0 : i32
      %dma_wait3A_19 = tpu.memref_slice %arg6[%mul3A_0, %dma_wait3A_18] : memref<10240x16xf32, #tpu.memory_space<vmem_shared>> -> memref<640x16xf32, #tpu.memory_space<vmem_shared>>
      tpu.wait_dma2 semaphore(%run_scoped3A : memref<!tpu.dma_semaphore, #tpu.memory_space<semaphore_mem>>) src(%dma_wait3A_19 : memref<640x16xf32, #tpu.memory_space<vmem_shared>>) dst(%dma_wait3A_17 : memref<640x16xf32, #tpu.memory_space<hbm>>)
      tpu.yield
    }) : () -> ()
    return
  }
}

#map = affine_map<(d0, d1) -> (0, 0)>
module attributes {stable_mosaic.version = 14 : i64} {
  func.func @gcn_edge_scatter_sc(%arg0: i32, %arg1: i32, %arg2: memref<10240x64xf32, #tpu.memory_space<hbm>>, %arg3: memref<2560x128xi32, #tpu.memory_space<hbm>>, %arg4: memref<2560x128xi32, #tpu.memory_space<hbm>>, %arg5: memref<10240x64xf32, #tpu.memory_space<hbm>>, %arg6: memref<20480x64xf32, #tpu.memory_space<hbm>>, %arg7: memref<10240x64xf32, #tpu.memory_space<vmem_shared>>, %arg8: memref<10240x64xf32, #tpu.memory_space<vmem_shared>>, %arg9: memref<128x64xf32, #tpu.memory_space<vmem>>, %arg10: memref<128x64xf32, #tpu.memory_space<vmem>>, %arg11: memref<80x128xi32, #tpu.memory_space<vmem>>, %arg12: memref<80x128xi32, #tpu.memory_space<vmem>>, %arg13: memref<!tpu.dma_semaphore, #tpu.memory_space<semaphore_mem>>, %arg14: memref<!tpu.dma_semaphore, #tpu.memory_space<semaphore_mem>>) attributes {dimension_semantics = [#tpu.dimension_semantics<core_parallel>, #tpu.dimension_semantics<subcore_parallel>], iteration_bounds = array<i64: 2, 16>, scalar_prefetch = 0 : i64, scratch_operands = 8 : i64, tpu.core_type = #tpu.core_type<sc_vector_subcore>, window_params = [{transform_indices = #map}, {transform_indices = #map}, {transform_indices = #map}, {transform_indices = #map}, {transform_indices = #map}]} {
    %mul3A = arith.constant 640 : i32
    %mul3A_0 = arith.muli %arg1, %mul3A : i32
    "tpu.region"() ({
      %run_scoped3A = tpu.sem_alloc : memref<!tpu.dma_semaphore, #tpu.memory_space<semaphore_mem>>
      %dma_start3A_20 = arith.constant 0 : i32
      %dma_start3A_21 = tpu.memref_slice %arg7[%mul3A_0, %dma_start3A_20] : memref<10240x64xf32, #tpu.memory_space<vmem_shared>> -> memref<640x64xf32, #tpu.memory_space<vmem_shared>>
      %dma_start3A_22 = arith.constant 0 : i32
      %dma_start3A_23 = tpu.memref_slice %arg2[%mul3A_0, %dma_start3A_22] : memref<10240x64xf32, #tpu.memory_space<hbm>> -> memref<640x64xf32, #tpu.memory_space<hbm>>
      tpu.enqueue_dma source(%dma_start3A_23 : memref<640x64xf32, #tpu.memory_space<hbm>>) target(%dma_start3A_21 : memref<640x64xf32, #tpu.memory_space<vmem_shared>>) target_semaphore(%run_scoped3A : memref<!tpu.dma_semaphore, #tpu.memory_space<semaphore_mem>>)
      %dma_wait3A = arith.constant 0 : i32
      %dma_wait3A_24 = tpu.memref_slice %arg7[%mul3A_0, %dma_wait3A] : memref<10240x64xf32, #tpu.memory_space<vmem_shared>> -> memref<640x64xf32, #tpu.memory_space<vmem_shared>>
      %dma_wait3A_25 = arith.constant 0 : i32
      %dma_wait3A_26 = tpu.memref_slice %arg2[%mul3A_0, %dma_wait3A_25] : memref<10240x64xf32, #tpu.memory_space<hbm>> -> memref<640x64xf32, #tpu.memory_space<hbm>>
      tpu.wait_dma2 semaphore(%run_scoped3A : memref<!tpu.dma_semaphore, #tpu.memory_space<semaphore_mem>>) src(%dma_wait3A_26 : memref<640x64xf32, #tpu.memory_space<hbm>>) dst(%dma_wait3A_24 : memref<640x64xf32, #tpu.memory_space<vmem_shared>>)
      tpu.yield
    }) : () -> ()
    "tpu.region"() ({
      %run_scoped3A = tpu.sem_alloc : memref<!tpu.dma_semaphore, #tpu.memory_space<semaphore_mem>>
      %dma_start3A_20 = arith.constant 0 : i32
      %dma_start3A_21 = tpu.memref_slice %arg8[%mul3A_0, %dma_start3A_20] : memref<10240x64xf32, #tpu.memory_space<vmem_shared>> -> memref<640x64xf32, #tpu.memory_space<vmem_shared>>
      %dma_start3A_22 = arith.constant 0 : i32
      %dma_start3A_23 = tpu.memref_slice %arg5[%mul3A_0, %dma_start3A_22] : memref<10240x64xf32, #tpu.memory_space<hbm>> -> memref<640x64xf32, #tpu.memory_space<hbm>>
      tpu.enqueue_dma source(%dma_start3A_23 : memref<640x64xf32, #tpu.memory_space<hbm>>) target(%dma_start3A_21 : memref<640x64xf32, #tpu.memory_space<vmem_shared>>) target_semaphore(%run_scoped3A : memref<!tpu.dma_semaphore, #tpu.memory_space<semaphore_mem>>)
      %dma_wait3A = arith.constant 0 : i32
      %dma_wait3A_24 = tpu.memref_slice %arg8[%mul3A_0, %dma_wait3A] : memref<10240x64xf32, #tpu.memory_space<vmem_shared>> -> memref<640x64xf32, #tpu.memory_space<vmem_shared>>
      %dma_wait3A_25 = arith.constant 0 : i32
      %dma_wait3A_26 = tpu.memref_slice %arg5[%mul3A_0, %dma_wait3A_25] : memref<10240x64xf32, #tpu.memory_space<hbm>> -> memref<640x64xf32, #tpu.memory_space<hbm>>
      tpu.wait_dma2 semaphore(%run_scoped3A : memref<!tpu.dma_semaphore, #tpu.memory_space<semaphore_mem>>) src(%dma_wait3A_26 : memref<640x64xf32, #tpu.memory_space<hbm>>) dst(%dma_wait3A_24 : memref<640x64xf32, #tpu.memory_space<vmem_shared>>)
      tpu.yield
    }) : () -> ()
    %mul3A_1 = arith.constant 16 : i32
    %mul3A_2 = arith.muli %arg0, %mul3A_1 : i32
    %add3A = arith.addi %mul3A_2, %arg1 : i32
    %mul3A_3 = arith.constant 80 : i32
    %mul3A_4 = arith.muli %add3A, %mul3A_3 : i32
    "tpu.region"() ({
      %run_scoped3A = tpu.sem_alloc : memref<!tpu.dma_semaphore, #tpu.memory_space<semaphore_mem>>
      %dma_start3A_20 = arith.constant 0 : i32
      %dma_start3A_21 = tpu.memref_slice %arg3[%mul3A_4, %dma_start3A_20] : memref<2560x128xi32, #tpu.memory_space<hbm>> -> memref<80x128xi32, #tpu.memory_space<hbm>>
      %dma_start3A_22 = arith.constant 0 : i32
      %dma_start3A_23 = tpu.memref_slice %arg3[%mul3A_4, %dma_start3A_22] : memref<2560x128xi32, #tpu.memory_space<hbm>> -> memref<80x128xi32, #tpu.memory_space<hbm>>
      tpu.enqueue_dma source(%dma_start3A_23 : memref<80x128xi32, #tpu.memory_space<hbm>>) target(%arg11 : memref<80x128xi32, #tpu.memory_space<vmem>>) target_semaphore(%run_scoped3A : memref<!tpu.dma_semaphore, #tpu.memory_space<semaphore_mem>>)
      %dma_wait3A = arith.constant 0 : i32
      %dma_wait3A_24 = tpu.memref_slice %arg3[%mul3A_4, %dma_wait3A] : memref<2560x128xi32, #tpu.memory_space<hbm>> -> memref<80x128xi32, #tpu.memory_space<hbm>>
      %dma_wait3A_25 = arith.constant 0 : i32
      %dma_wait3A_26 = tpu.memref_slice %arg3[%mul3A_4, %dma_wait3A_25] : memref<2560x128xi32, #tpu.memory_space<hbm>> -> memref<80x128xi32, #tpu.memory_space<hbm>>
      tpu.wait_dma2 semaphore(%run_scoped3A : memref<!tpu.dma_semaphore, #tpu.memory_space<semaphore_mem>>) src(%dma_wait3A_26 : memref<80x128xi32, #tpu.memory_space<hbm>>) dst(%arg11 : memref<80x128xi32, #tpu.memory_space<vmem>>)
      tpu.yield
    }) : () -> ()
    "tpu.region"() ({
      %run_scoped3A = tpu.sem_alloc : memref<!tpu.dma_semaphore, #tpu.memory_space<semaphore_mem>>
      %dma_start3A_20 = arith.constant 0 : i32
      %dma_start3A_21 = tpu.memref_slice %arg4[%mul3A_4, %dma_start3A_20] : memref<2560x128xi32, #tpu.memory_space<hbm>> -> memref<80x128xi32, #tpu.memory_space<hbm>>
      %dma_start3A_22 = arith.constant 0 : i32
      %dma_start3A_23 = tpu.memref_slice %arg4[%mul3A_4, %dma_start3A_22] : memref<2560x128xi32, #tpu.memory_space<hbm>> -> memref<80x128xi32, #tpu.memory_space<hbm>>
      tpu.enqueue_dma source(%dma_start3A_23 : memref<80x128xi32, #tpu.memory_space<hbm>>) target(%arg12 : memref<80x128xi32, #tpu.memory_space<vmem>>) target_semaphore(%run_scoped3A : memref<!tpu.dma_semaphore, #tpu.memory_space<semaphore_mem>>)
      %dma_wait3A = arith.constant 0 : i32
      %dma_wait3A_24 = tpu.memref_slice %arg4[%mul3A_4, %dma_wait3A] : memref<2560x128xi32, #tpu.memory_space<hbm>> -> memref<80x128xi32, #tpu.memory_space<hbm>>
      %dma_wait3A_25 = arith.constant 0 : i32
      %dma_wait3A_26 = tpu.memref_slice %arg4[%mul3A_4, %dma_wait3A_25] : memref<2560x128xi32, #tpu.memory_space<hbm>> -> memref<80x128xi32, #tpu.memory_space<hbm>>
      tpu.wait_dma2 semaphore(%run_scoped3A : memref<!tpu.dma_semaphore, #tpu.memory_space<semaphore_mem>>) src(%dma_wait3A_26 : memref<80x128xi32, #tpu.memory_space<hbm>>) dst(%arg12 : memref<80x128xi32, #tpu.memory_space<vmem>>)
      tpu.yield
    }) : () -> ()
    %barrier3A = arith.constant 0 : index
    tpu.barrier barrier_id(%barrier3A)
    %dma_start3A = arith.constant 0 : i32
    %dma_start3A_5 = arith.constant 0 : i32
    %dma_start3A_6 = tpu.memref_slice %arg11[%dma_start3A, %dma_start3A_5] : memref<80x128xi32, #tpu.memory_space<vmem>> -> memref<1x128xi32, #tpu.memory_space<vmem>>
    %dma_start3A_7 = tpu.memref_squeeze %dma_start3A_6 : memref<1x128xi32, #tpu.memory_space<vmem>> -> memref<128xi32, #tpu.memory_space<vmem>>
    %dma_start3A_8 = arith.constant 0 : i32
    %dma_start3A_9 = arith.constant 0 : i32
    %dma_start3A_10 = tpu.memref_slice %arg7[%dma_start3A_8, %dma_start3A_9] : memref<10240x64xf32, #tpu.memory_space<vmem_shared>> -> memref<10240x64xf32, #tpu.memory_space<vmem_shared>>
    tpu.enqueue_indirect_dma source(%dma_start3A_10 : memref<10240x64xf32, #tpu.memory_space<vmem_shared>>) target(%arg9 : memref<128x64xf32, #tpu.memory_space<vmem>>) offsets(%dma_start3A_7 : memref<128xi32, #tpu.memory_space<vmem>>) semaphore(%arg13 : memref<!tpu.dma_semaphore, #tpu.memory_space<semaphore_mem>>)
    %scan3A = arith.constant 0 : i32
    %scan3A_11 = arith.constant 0 : i32
    %scan3A_12 = arith.constant 40 : i32
    %scan3A_13 = arith.addi %scan3A_11, %scan3A_12 : i32
    %scan3A_14 = arith.constant 1 : i32
    scf.for %scan3A_20 = %scan3A_11 to %scan3A_13 step %scan3A_14  : i32 {
      %mul3A_21 = arith.constant 2 : i32
      %mul3A_22 = arith.muli %mul3A_21, %scan3A_20 : i32
      %add3A_23 = arith.constant 1 : i32
      %add3A_24 = arith.addi %mul3A_22, %add3A_23 : i32
      %dma_start3A_25 = arith.constant 0 : i32
      %dma_start3A_26 = tpu.memref_slice %arg11[%add3A_24, %dma_start3A_25] : memref<80x128xi32, #tpu.memory_space<vmem>> -> memref<1x128xi32, #tpu.memory_space<vmem>>
      %dma_start3A_27 = tpu.memref_squeeze %dma_start3A_26 : memref<1x128xi32, #tpu.memory_space<vmem>> -> memref<128xi32, #tpu.memory_space<vmem>>
      %dma_start3A_28 = arith.constant 0 : i32
      %dma_start3A_29 = arith.constant 0 : i32
      %dma_start3A_30 = tpu.memref_slice %arg7[%dma_start3A_28, %dma_start3A_29] : memref<10240x64xf32, #tpu.memory_space<vmem_shared>> -> memref<10240x64xf32, #tpu.memory_space<vmem_shared>>
      tpu.enqueue_indirect_dma source(%dma_start3A_30 : memref<10240x64xf32, #tpu.memory_space<vmem_shared>>) target(%arg10 : memref<128x64xf32, #tpu.memory_space<vmem>>) offsets(%dma_start3A_27 : memref<128xi32, #tpu.memory_space<vmem>>) semaphore(%arg14 : memref<!tpu.dma_semaphore, #tpu.memory_space<semaphore_mem>>)
      %dma_wait3A = arith.constant 0 : i32
      %dma_wait3A_31 = tpu.memref_slice %arg11[%mul3A_22, %dma_wait3A] : memref<80x128xi32, #tpu.memory_space<vmem>> -> memref<1x128xi32, #tpu.memory_space<vmem>>
      %dma_wait3A_32 = tpu.memref_squeeze %dma_wait3A_31 : memref<1x128xi32, #tpu.memory_space<vmem>> -> memref<128xi32, #tpu.memory_space<vmem>>
      %dma_wait3A_33 = arith.constant 0 : i32
      %dma_wait3A_34 = arith.constant 0 : i32
      %dma_wait3A_35 = tpu.memref_slice %arg7[%dma_wait3A_33, %dma_wait3A_34] : memref<10240x64xf32, #tpu.memory_space<vmem_shared>> -> memref<10240x64xf32, #tpu.memory_space<vmem_shared>>
      tpu.wait_indirect_dma semaphore(%arg13 : memref<!tpu.dma_semaphore, #tpu.memory_space<semaphore_mem>>) src(%dma_wait3A_35 : memref<10240x64xf32, #tpu.memory_space<vmem_shared>>) dst(%arg9 : memref<128x64xf32, #tpu.memory_space<vmem>>)
      "tpu.region"() ({
        %run_scoped3A = tpu.sem_alloc : memref<!tpu.dma_semaphore, #tpu.memory_space<semaphore_mem>>
        %dma_start3A_50 = arith.constant 0 : i32
        %dma_start3A_51 = tpu.memref_slice %arg12[%mul3A_22, %dma_start3A_50] : memref<80x128xi32, #tpu.memory_space<vmem>> -> memref<1x128xi32, #tpu.memory_space<vmem>>
        %dma_start3A_52 = tpu.memref_squeeze %dma_start3A_51 : memref<1x128xi32, #tpu.memory_space<vmem>> -> memref<128xi32, #tpu.memory_space<vmem>>
        %dma_start3A_53 = arith.constant 0 : i32
        %dma_start3A_54 = arith.constant 0 : i32
        %dma_start3A_55 = tpu.memref_slice %arg8[%dma_start3A_53, %dma_start3A_54] : memref<10240x64xf32, #tpu.memory_space<vmem_shared>> -> memref<10240x64xf32, #tpu.memory_space<vmem_shared>>
        tpu.enqueue_indirect_dma source(%arg9 : memref<128x64xf32, #tpu.memory_space<vmem>>) target(%dma_start3A_55 : memref<10240x64xf32, #tpu.memory_space<vmem_shared>>) offsets(%dma_start3A_52 : memref<128xi32, #tpu.memory_space<vmem>>) semaphore(%run_scoped3A : memref<!tpu.dma_semaphore, #tpu.memory_space<semaphore_mem>>) {add = true}
        %dma_wait3A_56 = arith.constant 0 : i32
        %dma_wait3A_57 = tpu.memref_slice %arg12[%mul3A_22, %dma_wait3A_56] : memref<80x128xi32, #tpu.memory_space<vmem>> -> memref<1x128xi32, #tpu.memory_space<vmem>>
        %dma_wait3A_58 = tpu.memref_squeeze %dma_wait3A_57 : memref<1x128xi32, #tpu.memory_space<vmem>> -> memref<128xi32, #tpu.memory_space<vmem>>
        %dma_wait3A_59 = arith.constant 0 : i32
        %dma_wait3A_60 = arith.constant 0 : i32
        %dma_wait3A_61 = tpu.memref_slice %arg8[%dma_wait3A_59, %dma_wait3A_60] : memref<10240x64xf32, #tpu.memory_space<vmem_shared>> -> memref<10240x64xf32, #tpu.memory_space<vmem_shared>>
        tpu.wait_indirect_dma semaphore(%run_scoped3A : memref<!tpu.dma_semaphore, #tpu.memory_space<semaphore_mem>>) src(%arg9 : memref<128x64xf32, #tpu.memory_space<vmem>>) dst(%dma_wait3A_61 : memref<10240x64xf32, #tpu.memory_space<vmem_shared>>)
        tpu.yield
      }) : () -> ()
      %add3A_36 = arith.constant 1 : i32
      %add3A_37 = arith.addi %scan3A_20, %add3A_36 : i32
      %lt3A = arith.constant 40 : i32
      %lt3A_38 = arith.cmpi slt, %add3A_37, %lt3A : i32
      %convert_element_type3A = arith.extui %lt3A_38 : i1 to i32
      %cond3A = arith.constant 0 : i32
      %cond3A_39 = arith.cmpi ne, %convert_element_type3A, %cond3A : i32
      scf.if %cond3A_39 {
        %add3A_50 = arith.constant 2 : i32
        %add3A_51 = arith.addi %mul3A_22, %add3A_50 : i32
        %dma_start3A_52 = arith.constant 0 : i32
        %dma_start3A_53 = tpu.memref_slice %arg11[%add3A_51, %dma_start3A_52] : memref<80x128xi32, #tpu.memory_space<vmem>> -> memref<1x128xi32, #tpu.memory_space<vmem>>
        %dma_start3A_54 = tpu.memref_squeeze %dma_start3A_53 : memref<1x128xi32, #tpu.memory_space<vmem>> -> memref<128xi32, #tpu.memory_space<vmem>>
        %dma_start3A_55 = arith.constant 0 : i32
        %dma_start3A_56 = arith.constant 0 : i32
        %dma_start3A_57 = tpu.memref_slice %arg7[%dma_start3A_55, %dma_start3A_56] : memref<10240x64xf32, #tpu.memory_space<vmem_shared>> -> memref<10240x64xf32, #tpu.memory_space<vmem_shared>>
        tpu.enqueue_indirect_dma source(%dma_start3A_57 : memref<10240x64xf32, #tpu.memory_space<vmem_shared>>) target(%arg9 : memref<128x64xf32, #tpu.memory_space<vmem>>) offsets(%dma_start3A_54 : memref<128xi32, #tpu.memory_space<vmem>>) semaphore(%arg13 : memref<!tpu.dma_semaphore, #tpu.memory_space<semaphore_mem>>)
      } else {
      }
      %add3A_40 = arith.constant 1 : i32
      %add3A_41 = arith.addi %mul3A_22, %add3A_40 : i32
      %dma_wait3A_42 = arith.constant 0 : i32
      %dma_wait3A_43 = tpu.memref_slice %arg11[%add3A_41, %dma_wait3A_42] : memref<80x128xi32, #tpu.memory_space<vmem>> -> memref<1x128xi32, #tpu.memory_space<vmem>>
      %dma_wait3A_44 = tpu.memref_squeeze %dma_wait3A_43 : memref<1x128xi32, #tpu.memory_space<vmem>> -> memref<128xi32, #tpu.memory_space<vmem>>
      %dma_wait3A_45 = arith.constant 0 : i32
      %dma_wait3A_46 = arith.constant 0 : i32
      %dma_wait3A_47 = tpu.memref_slice %arg7[%dma_wait3A_45, %dma_wait3A_46] : memref<10240x64xf32, #tpu.memory_space<vmem_shared>> -> memref<10240x64xf32, #tpu.memory_space<vmem_shared>>
      tpu.wait_indirect_dma semaphore(%arg14 : memref<!tpu.dma_semaphore, #tpu.memory_space<semaphore_mem>>) src(%dma_wait3A_47 : memref<10240x64xf32, #tpu.memory_space<vmem_shared>>) dst(%arg10 : memref<128x64xf32, #tpu.memory_space<vmem>>)
      %add3A_48 = arith.constant 1 : i32
      %add3A_49 = arith.addi %mul3A_22, %add3A_48 : i32
      "tpu.region"() ({
        %run_scoped3A = tpu.sem_alloc : memref<!tpu.dma_semaphore, #tpu.memory_space<semaphore_mem>>
        %dma_start3A_50 = arith.constant 0 : i32
        %dma_start3A_51 = tpu.memref_slice %arg12[%add3A_49, %dma_start3A_50] : memref<80x128xi32, #tpu.memory_space<vmem>> -> memref<1x128xi32, #tpu.memory_space<vmem>>
        %dma_start3A_52 = tpu.memref_squeeze %dma_start3A_51 : memref<1x128xi32, #tpu.memory_space<vmem>> -> memref<128xi32, #tpu.memory_space<vmem>>
        %dma_start3A_53 = arith.constant 0 : i32
        %dma_start3A_54 = arith.constant 0 : i32
        %dma_start3A_55 = tpu.memref_slice %arg8[%dma_start3A_53, %dma_start3A_54] : memref<10240x64xf32, #tpu.memory_space<vmem_shared>> -> memref<10240x64xf32, #tpu.memory_space<vmem_shared>>
        tpu.enqueue_indirect_dma source(%arg10 : memref<128x64xf32, #tpu.memory_space<vmem>>) target(%dma_start3A_55 : memref<10240x64xf32, #tpu.memory_space<vmem_shared>>) offsets(%dma_start3A_52 : memref<128xi32, #tpu.memory_space<vmem>>) semaphore(%run_scoped3A : memref<!tpu.dma_semaphore, #tpu.memory_space<semaphore_mem>>) {add = true}
        %dma_wait3A_56 = arith.constant 0 : i32
        %dma_wait3A_57 = tpu.memref_slice %arg12[%add3A_49, %dma_wait3A_56] : memref<80x128xi32, #tpu.memory_space<vmem>> -> memref<1x128xi32, #tpu.memory_space<vmem>>
        %dma_wait3A_58 = tpu.memref_squeeze %dma_wait3A_57 : memref<1x128xi32, #tpu.memory_space<vmem>> -> memref<128xi32, #tpu.memory_space<vmem>>
        %dma_wait3A_59 = arith.constant 0 : i32
        %dma_wait3A_60 = arith.constant 0 : i32
        %dma_wait3A_61 = tpu.memref_slice %arg8[%dma_wait3A_59, %dma_wait3A_60] : memref<10240x64xf32, #tpu.memory_space<vmem_shared>> -> memref<10240x64xf32, #tpu.memory_space<vmem_shared>>
        tpu.wait_indirect_dma semaphore(%run_scoped3A : memref<!tpu.dma_semaphore, #tpu.memory_space<semaphore_mem>>) src(%arg10 : memref<128x64xf32, #tpu.memory_space<vmem>>) dst(%dma_wait3A_61 : memref<10240x64xf32, #tpu.memory_space<vmem_shared>>)
        tpu.yield
      }) : () -> ()
    }
    %scan3A_15 = arith.constant 40 : i32
    %barrier3A_16 = arith.constant 0 : index
    tpu.barrier barrier_id(%barrier3A_16)
    %mul3A_17 = arith.constant 10240 : i32
    %mul3A_18 = arith.muli %arg0, %mul3A_17 : i32
    %add3A_19 = arith.addi %mul3A_18, %mul3A_0 : i32
    "tpu.region"() ({
      %run_scoped3A = tpu.sem_alloc : memref<!tpu.dma_semaphore, #tpu.memory_space<semaphore_mem>>
      %dma_start3A_20 = arith.constant 0 : i32
      %dma_start3A_21 = tpu.memref_slice %arg6[%add3A_19, %dma_start3A_20] : memref<20480x64xf32, #tpu.memory_space<hbm>> -> memref<640x64xf32, #tpu.memory_space<hbm>>
      %dma_start3A_22 = arith.constant 0 : i32
      %dma_start3A_23 = tpu.memref_slice %arg8[%mul3A_0, %dma_start3A_22] : memref<10240x64xf32, #tpu.memory_space<vmem_shared>> -> memref<640x64xf32, #tpu.memory_space<vmem_shared>>
      tpu.enqueue_dma source(%dma_start3A_23 : memref<640x64xf32, #tpu.memory_space<vmem_shared>>) target(%dma_start3A_21 : memref<640x64xf32, #tpu.memory_space<hbm>>) target_semaphore(%run_scoped3A : memref<!tpu.dma_semaphore, #tpu.memory_space<semaphore_mem>>)
      %dma_wait3A = arith.constant 0 : i32
      %dma_wait3A_24 = tpu.memref_slice %arg6[%add3A_19, %dma_wait3A] : memref<20480x64xf32, #tpu.memory_space<hbm>> -> memref<640x64xf32, #tpu.memory_space<hbm>>
      %dma_wait3A_25 = arith.constant 0 : i32
      %dma_wait3A_26 = tpu.memref_slice %arg8[%mul3A_0, %dma_wait3A_25] : memref<10240x64xf32, #tpu.memory_space<vmem_shared>> -> memref<640x64xf32, #tpu.memory_space<vmem_shared>>
      tpu.wait_dma2 semaphore(%run_scoped3A : memref<!tpu.dma_semaphore, #tpu.memory_space<semaphore_mem>>) src(%dma_wait3A_26 : memref<640x64xf32, #tpu.memory_space<vmem_shared>>) dst(%dma_wait3A_24 : memref<640x64xf32, #tpu.memory_space<hbm>>)
      tpu.yield
    }) : () -> ()
    return
  }
}

#map = affine_map<(d0, d1) -> (0, 0)>
module attributes {stable_mosaic.version = 14 : i64} {
  func.func @gcn_edge_scatter_sc(%arg0: i32, %arg1: i32, %arg2: memref<10240x64xf32, #tpu.memory_space<hbm>>, %arg3: memref<2560x128xi32, #tpu.memory_space<hbm>>, %arg4: memref<2560x128xi32, #tpu.memory_space<hbm>>, %arg5: memref<10240x64xf32, #tpu.memory_space<hbm>>, %arg6: memref<20480x64xf32, #tpu.memory_space<hbm>>, %arg7: memref<10240x64xf32, #tpu.memory_space<vmem_shared>>, %arg8: memref<10240x64xf32, #tpu.memory_space<vmem_shared>>, %arg9: memref<128x64xf32, #tpu.memory_space<vmem>>, %arg10: memref<128x64xf32, #tpu.memory_space<vmem>>, %arg11: memref<80x128xi32, #tpu.memory_space<vmem>>, %arg12: memref<80x128xi32, #tpu.memory_space<vmem>>, %arg13: memref<!tpu.dma_semaphore, #tpu.memory_space<semaphore_mem>>, %arg14: memref<!tpu.dma_semaphore, #tpu.memory_space<semaphore_mem>>) attributes {dimension_semantics = [#tpu.dimension_semantics<core_parallel>, #tpu.dimension_semantics<subcore_parallel>], iteration_bounds = array<i64: 2, 16>, scalar_prefetch = 0 : i64, scratch_operands = 8 : i64, tpu.core_type = #tpu.core_type<sc_vector_subcore>, window_params = [{transform_indices = #map}, {transform_indices = #map}, {transform_indices = #map}, {transform_indices = #map}, {transform_indices = #map}]} {
    %mul3A = arith.constant 640 : i32
    %mul3A_0 = arith.muli %arg1, %mul3A : i32
    "tpu.region"() ({
      %run_scoped3A = tpu.sem_alloc : memref<!tpu.dma_semaphore, #tpu.memory_space<semaphore_mem>>
      %dma_start3A_20 = arith.constant 0 : i32
      %dma_start3A_21 = tpu.memref_slice %arg7[%mul3A_0, %dma_start3A_20] : memref<10240x64xf32, #tpu.memory_space<vmem_shared>> -> memref<640x64xf32, #tpu.memory_space<vmem_shared>>
      %dma_start3A_22 = arith.constant 0 : i32
      %dma_start3A_23 = tpu.memref_slice %arg2[%mul3A_0, %dma_start3A_22] : memref<10240x64xf32, #tpu.memory_space<hbm>> -> memref<640x64xf32, #tpu.memory_space<hbm>>
      tpu.enqueue_dma source(%dma_start3A_23 : memref<640x64xf32, #tpu.memory_space<hbm>>) target(%dma_start3A_21 : memref<640x64xf32, #tpu.memory_space<vmem_shared>>) target_semaphore(%run_scoped3A : memref<!tpu.dma_semaphore, #tpu.memory_space<semaphore_mem>>)
      %dma_wait3A = arith.constant 0 : i32
      %dma_wait3A_24 = tpu.memref_slice %arg7[%mul3A_0, %dma_wait3A] : memref<10240x64xf32, #tpu.memory_space<vmem_shared>> -> memref<640x64xf32, #tpu.memory_space<vmem_shared>>
      %dma_wait3A_25 = arith.constant 0 : i32
      %dma_wait3A_26 = tpu.memref_slice %arg2[%mul3A_0, %dma_wait3A_25] : memref<10240x64xf32, #tpu.memory_space<hbm>> -> memref<640x64xf32, #tpu.memory_space<hbm>>
      tpu.wait_dma2 semaphore(%run_scoped3A : memref<!tpu.dma_semaphore, #tpu.memory_space<semaphore_mem>>) src(%dma_wait3A_26 : memref<640x64xf32, #tpu.memory_space<hbm>>) dst(%dma_wait3A_24 : memref<640x64xf32, #tpu.memory_space<vmem_shared>>)
      tpu.yield
    }) : () -> ()
    "tpu.region"() ({
      %run_scoped3A = tpu.sem_alloc : memref<!tpu.dma_semaphore, #tpu.memory_space<semaphore_mem>>
      %dma_start3A_20 = arith.constant 0 : i32
      %dma_start3A_21 = tpu.memref_slice %arg8[%mul3A_0, %dma_start3A_20] : memref<10240x64xf32, #tpu.memory_space<vmem_shared>> -> memref<640x64xf32, #tpu.memory_space<vmem_shared>>
      %dma_start3A_22 = arith.constant 0 : i32
      %dma_start3A_23 = tpu.memref_slice %arg5[%mul3A_0, %dma_start3A_22] : memref<10240x64xf32, #tpu.memory_space<hbm>> -> memref<640x64xf32, #tpu.memory_space<hbm>>
      tpu.enqueue_dma source(%dma_start3A_23 : memref<640x64xf32, #tpu.memory_space<hbm>>) target(%dma_start3A_21 : memref<640x64xf32, #tpu.memory_space<vmem_shared>>) target_semaphore(%run_scoped3A : memref<!tpu.dma_semaphore, #tpu.memory_space<semaphore_mem>>)
      %dma_wait3A = arith.constant 0 : i32
      %dma_wait3A_24 = tpu.memref_slice %arg8[%mul3A_0, %dma_wait3A] : memref<10240x64xf32, #tpu.memory_space<vmem_shared>> -> memref<640x64xf32, #tpu.memory_space<vmem_shared>>
      %dma_wait3A_25 = arith.constant 0 : i32
      %dma_wait3A_26 = tpu.memref_slice %arg5[%mul3A_0, %dma_wait3A_25] : memref<10240x64xf32, #tpu.memory_space<hbm>> -> memref<640x64xf32, #tpu.memory_space<hbm>>
      tpu.wait_dma2 semaphore(%run_scoped3A : memref<!tpu.dma_semaphore, #tpu.memory_space<semaphore_mem>>) src(%dma_wait3A_26 : memref<640x64xf32, #tpu.memory_space<hbm>>) dst(%dma_wait3A_24 : memref<640x64xf32, #tpu.memory_space<vmem_shared>>)
      tpu.yield
    }) : () -> ()
    %mul3A_1 = arith.constant 16 : i32
    %mul3A_2 = arith.muli %arg0, %mul3A_1 : i32
    %add3A = arith.addi %mul3A_2, %arg1 : i32
    %mul3A_3 = arith.constant 80 : i32
    %mul3A_4 = arith.muli %add3A, %mul3A_3 : i32
    "tpu.region"() ({
      %run_scoped3A = tpu.sem_alloc : memref<!tpu.dma_semaphore, #tpu.memory_space<semaphore_mem>>
      %dma_start3A_20 = arith.constant 0 : i32
      %dma_start3A_21 = tpu.memref_slice %arg3[%mul3A_4, %dma_start3A_20] : memref<2560x128xi32, #tpu.memory_space<hbm>> -> memref<80x128xi32, #tpu.memory_space<hbm>>
      %dma_start3A_22 = arith.constant 0 : i32
      %dma_start3A_23 = tpu.memref_slice %arg3[%mul3A_4, %dma_start3A_22] : memref<2560x128xi32, #tpu.memory_space<hbm>> -> memref<80x128xi32, #tpu.memory_space<hbm>>
      tpu.enqueue_dma source(%dma_start3A_23 : memref<80x128xi32, #tpu.memory_space<hbm>>) target(%arg11 : memref<80x128xi32, #tpu.memory_space<vmem>>) target_semaphore(%run_scoped3A : memref<!tpu.dma_semaphore, #tpu.memory_space<semaphore_mem>>)
      %dma_wait3A = arith.constant 0 : i32
      %dma_wait3A_24 = tpu.memref_slice %arg3[%mul3A_4, %dma_wait3A] : memref<2560x128xi32, #tpu.memory_space<hbm>> -> memref<80x128xi32, #tpu.memory_space<hbm>>
      %dma_wait3A_25 = arith.constant 0 : i32
      %dma_wait3A_26 = tpu.memref_slice %arg3[%mul3A_4, %dma_wait3A_25] : memref<2560x128xi32, #tpu.memory_space<hbm>> -> memref<80x128xi32, #tpu.memory_space<hbm>>
      tpu.wait_dma2 semaphore(%run_scoped3A : memref<!tpu.dma_semaphore, #tpu.memory_space<semaphore_mem>>) src(%dma_wait3A_26 : memref<80x128xi32, #tpu.memory_space<hbm>>) dst(%arg11 : memref<80x128xi32, #tpu.memory_space<vmem>>)
      tpu.yield
    }) : () -> ()
    "tpu.region"() ({
      %run_scoped3A = tpu.sem_alloc : memref<!tpu.dma_semaphore, #tpu.memory_space<semaphore_mem>>
      %dma_start3A_20 = arith.constant 0 : i32
      %dma_start3A_21 = tpu.memref_slice %arg4[%mul3A_4, %dma_start3A_20] : memref<2560x128xi32, #tpu.memory_space<hbm>> -> memref<80x128xi32, #tpu.memory_space<hbm>>
      %dma_start3A_22 = arith.constant 0 : i32
      %dma_start3A_23 = tpu.memref_slice %arg4[%mul3A_4, %dma_start3A_22] : memref<2560x128xi32, #tpu.memory_space<hbm>> -> memref<80x128xi32, #tpu.memory_space<hbm>>
      tpu.enqueue_dma source(%dma_start3A_23 : memref<80x128xi32, #tpu.memory_space<hbm>>) target(%arg12 : memref<80x128xi32, #tpu.memory_space<vmem>>) target_semaphore(%run_scoped3A : memref<!tpu.dma_semaphore, #tpu.memory_space<semaphore_mem>>)
      %dma_wait3A = arith.constant 0 : i32
      %dma_wait3A_24 = tpu.memref_slice %arg4[%mul3A_4, %dma_wait3A] : memref<2560x128xi32, #tpu.memory_space<hbm>> -> memref<80x128xi32, #tpu.memory_space<hbm>>
      %dma_wait3A_25 = arith.constant 0 : i32
      %dma_wait3A_26 = tpu.memref_slice %arg4[%mul3A_4, %dma_wait3A_25] : memref<2560x128xi32, #tpu.memory_space<hbm>> -> memref<80x128xi32, #tpu.memory_space<hbm>>
      tpu.wait_dma2 semaphore(%run_scoped3A : memref<!tpu.dma_semaphore, #tpu.memory_space<semaphore_mem>>) src(%dma_wait3A_26 : memref<80x128xi32, #tpu.memory_space<hbm>>) dst(%arg12 : memref<80x128xi32, #tpu.memory_space<vmem>>)
      tpu.yield
    }) : () -> ()
    %barrier3A = arith.constant 0 : index
    tpu.barrier barrier_id(%barrier3A)
    %dma_start3A = arith.constant 0 : i32
    %dma_start3A_5 = arith.constant 0 : i32
    %dma_start3A_6 = tpu.memref_slice %arg11[%dma_start3A, %dma_start3A_5] : memref<80x128xi32, #tpu.memory_space<vmem>> -> memref<1x128xi32, #tpu.memory_space<vmem>>
    %dma_start3A_7 = tpu.memref_squeeze %dma_start3A_6 : memref<1x128xi32, #tpu.memory_space<vmem>> -> memref<128xi32, #tpu.memory_space<vmem>>
    %dma_start3A_8 = arith.constant 0 : i32
    %dma_start3A_9 = arith.constant 0 : i32
    %dma_start3A_10 = tpu.memref_slice %arg7[%dma_start3A_8, %dma_start3A_9] : memref<10240x64xf32, #tpu.memory_space<vmem_shared>> -> memref<10240x64xf32, #tpu.memory_space<vmem_shared>>
    tpu.enqueue_indirect_dma source(%dma_start3A_10 : memref<10240x64xf32, #tpu.memory_space<vmem_shared>>) target(%arg9 : memref<128x64xf32, #tpu.memory_space<vmem>>) offsets(%dma_start3A_7 : memref<128xi32, #tpu.memory_space<vmem>>) semaphore(%arg13 : memref<!tpu.dma_semaphore, #tpu.memory_space<semaphore_mem>>)
    %scan3A = arith.constant 0 : i32
    %scan3A_11 = arith.constant 0 : i32
    %scan3A_12 = arith.constant 40 : i32
    %scan3A_13 = arith.addi %scan3A_11, %scan3A_12 : i32
    %scan3A_14 = arith.constant 1 : i32
    scf.for %scan3A_20 = %scan3A_11 to %scan3A_13 step %scan3A_14  : i32 {
      %mul3A_21 = arith.constant 2 : i32
      %mul3A_22 = arith.muli %mul3A_21, %scan3A_20 : i32
      %add3A_23 = arith.constant 1 : i32
      %add3A_24 = arith.addi %mul3A_22, %add3A_23 : i32
      %dma_start3A_25 = arith.constant 0 : i32
      %dma_start3A_26 = tpu.memref_slice %arg11[%add3A_24, %dma_start3A_25] : memref<80x128xi32, #tpu.memory_space<vmem>> -> memref<1x128xi32, #tpu.memory_space<vmem>>
      %dma_start3A_27 = tpu.memref_squeeze %dma_start3A_26 : memref<1x128xi32, #tpu.memory_space<vmem>> -> memref<128xi32, #tpu.memory_space<vmem>>
      %dma_start3A_28 = arith.constant 0 : i32
      %dma_start3A_29 = arith.constant 0 : i32
      %dma_start3A_30 = tpu.memref_slice %arg7[%dma_start3A_28, %dma_start3A_29] : memref<10240x64xf32, #tpu.memory_space<vmem_shared>> -> memref<10240x64xf32, #tpu.memory_space<vmem_shared>>
      tpu.enqueue_indirect_dma source(%dma_start3A_30 : memref<10240x64xf32, #tpu.memory_space<vmem_shared>>) target(%arg10 : memref<128x64xf32, #tpu.memory_space<vmem>>) offsets(%dma_start3A_27 : memref<128xi32, #tpu.memory_space<vmem>>) semaphore(%arg14 : memref<!tpu.dma_semaphore, #tpu.memory_space<semaphore_mem>>)
      %dma_wait3A = arith.constant 0 : i32
      %dma_wait3A_31 = tpu.memref_slice %arg11[%mul3A_22, %dma_wait3A] : memref<80x128xi32, #tpu.memory_space<vmem>> -> memref<1x128xi32, #tpu.memory_space<vmem>>
      %dma_wait3A_32 = tpu.memref_squeeze %dma_wait3A_31 : memref<1x128xi32, #tpu.memory_space<vmem>> -> memref<128xi32, #tpu.memory_space<vmem>>
      %dma_wait3A_33 = arith.constant 0 : i32
      %dma_wait3A_34 = arith.constant 0 : i32
      %dma_wait3A_35 = tpu.memref_slice %arg7[%dma_wait3A_33, %dma_wait3A_34] : memref<10240x64xf32, #tpu.memory_space<vmem_shared>> -> memref<10240x64xf32, #tpu.memory_space<vmem_shared>>
      tpu.wait_indirect_dma semaphore(%arg13 : memref<!tpu.dma_semaphore, #tpu.memory_space<semaphore_mem>>) src(%dma_wait3A_35 : memref<10240x64xf32, #tpu.memory_space<vmem_shared>>) dst(%arg9 : memref<128x64xf32, #tpu.memory_space<vmem>>)
      "tpu.region"() ({
        %run_scoped3A = tpu.sem_alloc : memref<!tpu.dma_semaphore, #tpu.memory_space<semaphore_mem>>
        %dma_start3A_50 = arith.constant 0 : i32
        %dma_start3A_51 = tpu.memref_slice %arg12[%mul3A_22, %dma_start3A_50] : memref<80x128xi32, #tpu.memory_space<vmem>> -> memref<1x128xi32, #tpu.memory_space<vmem>>
        %dma_start3A_52 = tpu.memref_squeeze %dma_start3A_51 : memref<1x128xi32, #tpu.memory_space<vmem>> -> memref<128xi32, #tpu.memory_space<vmem>>
        %dma_start3A_53 = arith.constant 0 : i32
        %dma_start3A_54 = arith.constant 0 : i32
        %dma_start3A_55 = tpu.memref_slice %arg8[%dma_start3A_53, %dma_start3A_54] : memref<10240x64xf32, #tpu.memory_space<vmem_shared>> -> memref<10240x64xf32, #tpu.memory_space<vmem_shared>>
        tpu.enqueue_indirect_dma source(%arg9 : memref<128x64xf32, #tpu.memory_space<vmem>>) target(%dma_start3A_55 : memref<10240x64xf32, #tpu.memory_space<vmem_shared>>) offsets(%dma_start3A_52 : memref<128xi32, #tpu.memory_space<vmem>>) semaphore(%run_scoped3A : memref<!tpu.dma_semaphore, #tpu.memory_space<semaphore_mem>>) {add = true}
        %dma_wait3A_56 = arith.constant 0 : i32
        %dma_wait3A_57 = tpu.memref_slice %arg12[%mul3A_22, %dma_wait3A_56] : memref<80x128xi32, #tpu.memory_space<vmem>> -> memref<1x128xi32, #tpu.memory_space<vmem>>
        %dma_wait3A_58 = tpu.memref_squeeze %dma_wait3A_57 : memref<1x128xi32, #tpu.memory_space<vmem>> -> memref<128xi32, #tpu.memory_space<vmem>>
        %dma_wait3A_59 = arith.constant 0 : i32
        %dma_wait3A_60 = arith.constant 0 : i32
        %dma_wait3A_61 = tpu.memref_slice %arg8[%dma_wait3A_59, %dma_wait3A_60] : memref<10240x64xf32, #tpu.memory_space<vmem_shared>> -> memref<10240x64xf32, #tpu.memory_space<vmem_shared>>
        tpu.wait_indirect_dma semaphore(%run_scoped3A : memref<!tpu.dma_semaphore, #tpu.memory_space<semaphore_mem>>) src(%arg9 : memref<128x64xf32, #tpu.memory_space<vmem>>) dst(%dma_wait3A_61 : memref<10240x64xf32, #tpu.memory_space<vmem_shared>>)
        tpu.yield
      }) : () -> ()
      %add3A_36 = arith.constant 1 : i32
      %add3A_37 = arith.addi %scan3A_20, %add3A_36 : i32
      %lt3A = arith.constant 40 : i32
      %lt3A_38 = arith.cmpi slt, %add3A_37, %lt3A : i32
      %convert_element_type3A = arith.extui %lt3A_38 : i1 to i32
      %cond3A = arith.constant 0 : i32
      %cond3A_39 = arith.cmpi ne, %convert_element_type3A, %cond3A : i32
      scf.if %cond3A_39 {
        %add3A_50 = arith.constant 2 : i32
        %add3A_51 = arith.addi %mul3A_22, %add3A_50 : i32
        %dma_start3A_52 = arith.constant 0 : i32
        %dma_start3A_53 = tpu.memref_slice %arg11[%add3A_51, %dma_start3A_52] : memref<80x128xi32, #tpu.memory_space<vmem>> -> memref<1x128xi32, #tpu.memory_space<vmem>>
        %dma_start3A_54 = tpu.memref_squeeze %dma_start3A_53 : memref<1x128xi32, #tpu.memory_space<vmem>> -> memref<128xi32, #tpu.memory_space<vmem>>
        %dma_start3A_55 = arith.constant 0 : i32
        %dma_start3A_56 = arith.constant 0 : i32
        %dma_start3A_57 = tpu.memref_slice %arg7[%dma_start3A_55, %dma_start3A_56] : memref<10240x64xf32, #tpu.memory_space<vmem_shared>> -> memref<10240x64xf32, #tpu.memory_space<vmem_shared>>
        tpu.enqueue_indirect_dma source(%dma_start3A_57 : memref<10240x64xf32, #tpu.memory_space<vmem_shared>>) target(%arg9 : memref<128x64xf32, #tpu.memory_space<vmem>>) offsets(%dma_start3A_54 : memref<128xi32, #tpu.memory_space<vmem>>) semaphore(%arg13 : memref<!tpu.dma_semaphore, #tpu.memory_space<semaphore_mem>>)
      } else {
      }
      %add3A_40 = arith.constant 1 : i32
      %add3A_41 = arith.addi %mul3A_22, %add3A_40 : i32
      %dma_wait3A_42 = arith.constant 0 : i32
      %dma_wait3A_43 = tpu.memref_slice %arg11[%add3A_41, %dma_wait3A_42] : memref<80x128xi32, #tpu.memory_space<vmem>> -> memref<1x128xi32, #tpu.memory_space<vmem>>
      %dma_wait3A_44 = tpu.memref_squeeze %dma_wait3A_43 : memref<1x128xi32, #tpu.memory_space<vmem>> -> memref<128xi32, #tpu.memory_space<vmem>>
      %dma_wait3A_45 = arith.constant 0 : i32
      %dma_wait3A_46 = arith.constant 0 : i32
      %dma_wait3A_47 = tpu.memref_slice %arg7[%dma_wait3A_45, %dma_wait3A_46] : memref<10240x64xf32, #tpu.memory_space<vmem_shared>> -> memref<10240x64xf32, #tpu.memory_space<vmem_shared>>
      tpu.wait_indirect_dma semaphore(%arg14 : memref<!tpu.dma_semaphore, #tpu.memory_space<semaphore_mem>>) src(%dma_wait3A_47 : memref<10240x64xf32, #tpu.memory_space<vmem_shared>>) dst(%arg10 : memref<128x64xf32, #tpu.memory_space<vmem>>)
      %add3A_48 = arith.constant 1 : i32
      %add3A_49 = arith.addi %mul3A_22, %add3A_48 : i32
      "tpu.region"() ({
        %run_scoped3A = tpu.sem_alloc : memref<!tpu.dma_semaphore, #tpu.memory_space<semaphore_mem>>
        %dma_start3A_50 = arith.constant 0 : i32
        %dma_start3A_51 = tpu.memref_slice %arg12[%add3A_49, %dma_start3A_50] : memref<80x128xi32, #tpu.memory_space<vmem>> -> memref<1x128xi32, #tpu.memory_space<vmem>>
        %dma_start3A_52 = tpu.memref_squeeze %dma_start3A_51 : memref<1x128xi32, #tpu.memory_space<vmem>> -> memref<128xi32, #tpu.memory_space<vmem>>
        %dma_start3A_53 = arith.constant 0 : i32
        %dma_start3A_54 = arith.constant 0 : i32
        %dma_start3A_55 = tpu.memref_slice %arg8[%dma_start3A_53, %dma_start3A_54] : memref<10240x64xf32, #tpu.memory_space<vmem_shared>> -> memref<10240x64xf32, #tpu.memory_space<vmem_shared>>
        tpu.enqueue_indirect_dma source(%arg10 : memref<128x64xf32, #tpu.memory_space<vmem>>) target(%dma_start3A_55 : memref<10240x64xf32, #tpu.memory_space<vmem_shared>>) offsets(%dma_start3A_52 : memref<128xi32, #tpu.memory_space<vmem>>) semaphore(%run_scoped3A : memref<!tpu.dma_semaphore, #tpu.memory_space<semaphore_mem>>) {add = true}
        %dma_wait3A_56 = arith.constant 0 : i32
        %dma_wait3A_57 = tpu.memref_slice %arg12[%add3A_49, %dma_wait3A_56] : memref<80x128xi32, #tpu.memory_space<vmem>> -> memref<1x128xi32, #tpu.memory_space<vmem>>
        %dma_wait3A_58 = tpu.memref_squeeze %dma_wait3A_57 : memref<1x128xi32, #tpu.memory_space<vmem>> -> memref<128xi32, #tpu.memory_space<vmem>>
        %dma_wait3A_59 = arith.constant 0 : i32
        %dma_wait3A_60 = arith.constant 0 : i32
        %dma_wait3A_61 = tpu.memref_slice %arg8[%dma_wait3A_59, %dma_wait3A_60] : memref<10240x64xf32, #tpu.memory_space<vmem_shared>> -> memref<10240x64xf32, #tpu.memory_space<vmem_shared>>
        tpu.wait_indirect_dma semaphore(%run_scoped3A : memref<!tpu.dma_semaphore, #tpu.memory_space<semaphore_mem>>) src(%arg10 : memref<128x64xf32, #tpu.memory_space<vmem>>) dst(%dma_wait3A_61 : memref<10240x64xf32, #tpu.memory_space<vmem_shared>>)
        tpu.yield
      }) : () -> ()
    }
    %scan3A_15 = arith.constant 40 : i32
    %barrier3A_16 = arith.constant 0 : index
    tpu.barrier barrier_id(%barrier3A_16)
    %mul3A_17 = arith.constant 10240 : i32
    %mul3A_18 = arith.muli %arg0, %mul3A_17 : i32
    %add3A_19 = arith.addi %mul3A_18, %mul3A_0 : i32
    "tpu.region"() ({
      %run_scoped3A = tpu.sem_alloc : memref<!tpu.dma_semaphore, #tpu.memory_space<semaphore_mem>>
      %dma_start3A_20 = arith.constant 0 : i32
      %dma_start3A_21 = tpu.memref_slice %arg6[%add3A_19, %dma_start3A_20] : memref<20480x64xf32, #tpu.memory_space<hbm>> -> memref<640x64xf32, #tpu.memory_space<hbm>>
      %dma_start3A_22 = arith.constant 0 : i32
      %dma_start3A_23 = tpu.memref_slice %arg8[%mul3A_0, %dma_start3A_22] : memref<10240x64xf32, #tpu.memory_space<vmem_shared>> -> memref<640x64xf32, #tpu.memory_space<vmem_shared>>
      tpu.enqueue_dma source(%dma_start3A_23 : memref<640x64xf32, #tpu.memory_space<vmem_shared>>) target(%dma_start3A_21 : memref<640x64xf32, #tpu.memory_space<hbm>>) target_semaphore(%run_scoped3A : memref<!tpu.dma_semaphore, #tpu.memory_space<semaphore_mem>>)
      %dma_wait3A = arith.constant 0 : i32
      %dma_wait3A_24 = tpu.memref_slice %arg6[%add3A_19, %dma_wait3A] : memref<20480x64xf32, #tpu.memory_space<hbm>> -> memref<640x64xf32, #tpu.memory_space<hbm>>
      %dma_wait3A_25 = arith.constant 0 : i32
      %dma_wait3A_26 = tpu.memref_slice %arg8[%mul3A_0, %dma_wait3A_25] : memref<10240x64xf32, #tpu.memory_space<vmem_shared>> -> memref<640x64xf32, #tpu.memory_space<vmem_shared>>
      tpu.wait_dma2 semaphore(%run_scoped3A : memref<!tpu.dma_semaphore, #tpu.memory_space<semaphore_mem>>) src(%dma_wait3A_26 : memref<640x64xf32, #tpu.memory_space<vmem_shared>>) dst(%dma_wait3A_24 : memref<640x64xf32, #tpu.memory_space<hbm>>)
      tpu.yield
    }) : () -> ()
    return
  }
}

module attributes {stable_mosaic.version = 14 : i64} {
  func.func @gcn_l1_matmul_tc(%arg0: i32, %arg1: memref<1024x16xf32, #tpu.memory_space<vmem>>, %arg2: memref<1024x16xf32, #tpu.memory_space<vmem>>, %arg3: memref<1024x128xf32, #tpu.memory_space<vmem>>, %arg4: memref<128x64xf32, #tpu.memory_space<vmem>>, %arg5: memref<1024x64xf32, #tpu.memory_space<vmem>>, %arg6: memref<1024x1xf32, #tpu.memory_space<vmem>>) attributes {dimension_semantics = [#tpu.dimension_semantics<arbitrary>], iteration_bounds = array<i64: 10>, scalar_prefetch = 0 : i64, scratch_operands = 0 : i64, tpu.core_type = #tpu.core_type<tc>, window_params = [{transform_indices = @transform_0, window_bounds = array<i64: 1024, 16>}, {transform_indices = @transform_1, window_bounds = array<i64: 1024, 16>}, {transform_indices = @transform_2, window_bounds = array<i64: 1024, 128>}, {pipeline_mode = #tpu.pipeline_mode<synchronous>, transform_indices = @transform_3, window_bounds = array<i64: 128, 64>}, {transform_indices = @transform_4, window_bounds = array<i64: 1024, 64>}, {transform_indices = @transform_5, window_bounds = array<i64: 1024, 1>}]} {
    %get3A = arith.constant 0 : index
    %get3A_0 = arith.constant 0 : index
    %get3A_1 = vector.load %arg1[%get3A, %get3A_0] : memref<1024x16xf32, #tpu.memory_space<vmem>>, vector<1024x1xf32>
    %add3A = arith.constant 1.000000e+00 : f32
    %add3A_2 = vector.broadcast %add3A : f32 to vector<1024x1xf32>
    %add3A_3 = arith.addf %add3A_2, %get3A_1 : vector<1024x1xf32>
    %get3A_4 = arith.constant 0 : index
    %get3A_5 = arith.constant 0 : index
    %get3A_6 = vector.load %arg2[%get3A_4, %get3A_5] : memref<1024x16xf32, #tpu.memory_space<vmem>>, vector<1024x1xf32>
    %add3A_7 = arith.addf %add3A_3, %get3A_6 : vector<1024x1xf32>
    %rsqrt3A = math.rsqrt %add3A_7 : vector<1024x1xf32>
    %get3A_8 = arith.constant 0 : index
    %get3A_9 = arith.constant 0 : index
    %get3A_10 = vector.load %arg3[%get3A_8, %get3A_9] : memref<1024x128xf32, #tpu.memory_space<vmem>>, vector<1024x128xf32>
    %get3A_11 = arith.constant 0 : index
    %get3A_12 = arith.constant 0 : index
    %get3A_13 = vector.load %arg4[%get3A_11, %get3A_12] : memref<128x64xf32, #tpu.memory_space<vmem>>, vector<128x64xf32>
    %dot_general3A = arith.constant dense<0.000000e+00> : vector<1024x64xf32>
    %dot_general3A_14 = tpu.matmul %get3A_10, %get3A_13, %dot_general3A {dimension_numbers = #tpu.dot_dimension_numbers<[1], [0], [0], [1], [0, 0, 1, 1], [], []>, transpose_lhs_hint = false} : vector<1024x128xf32>, vector<128x64xf32>, vector<1024x64xf32> -> vector<1024x64xf32>
    %mul3A = vector.broadcast %rsqrt3A : vector<1024x1xf32> to vector<1024x64xf32>
    %mul3A_15 = arith.mulf %dot_general3A_14, %mul3A : vector<1024x64xf32>
    %swap3A = arith.constant 0 : index
    %swap3A_16 = arith.constant 0 : index
    %swap3A_17 = vector.load %arg5[%swap3A, %swap3A_16] : memref<1024x64xf32, #tpu.memory_space<vmem>>, vector<1024x64xf32>
    tpu.vector_store %arg5[%swap3A, %swap3A_16], %mul3A_15 {strides = array<i32>} : memref<1024x64xf32, #tpu.memory_space<vmem>>, vector<1024x64xf32>,
    %swap3A_18 = arith.constant 0 : index
    %swap3A_19 = arith.constant 0 : index
    %swap3A_20 = vector.load %arg6[%swap3A_18, %swap3A_19] : memref<1024x1xf32, #tpu.memory_space<vmem>>, vector<1024x1xf32>
    tpu.vector_store %arg6[%swap3A_18, %swap3A_19], %rsqrt3A {strides = array<i32>} : memref<1024x1xf32, #tpu.memory_space<vmem>>, vector<1024x1xf32>,
    return
  }
  func.func @transform_0(%arg0: i32) -> (i32, i32) {
    %c0_i32 = arith.constant 0 : i32
    %c0_i32_0 = arith.constant 0 : i32
    return %arg0, %c0_i32 : i32, i32
  }
  func.func @transform_1(%arg0: i32) -> (i32, i32) {
    %c0_i32 = arith.constant 0 : i32
    %c0_i32_0 = arith.constant 0 : i32
    return %arg0, %c0_i32 : i32, i32
  }
  func.func @transform_2(%arg0: i32) -> (i32, i32) {
    %c0_i32 = arith.constant 0 : i32
    %c0_i32_0 = arith.constant 0 : i32
    return %arg0, %c0_i32 : i32, i32
  }
  func.func @transform_3(%arg0: i32) -> (i32, i32) {
    %c0_i32 = arith.constant 0 : i32
    %c0_i32_0 = arith.constant 0 : i32
    %c0_i32_1 = arith.constant 0 : i32
    return %c0_i32, %c0_i32_0 : i32, i32
  }
  func.func @transform_4(%arg0: i32) -> (i32, i32) {
    %c0_i32 = arith.constant 0 : i32
    %c0_i32_0 = arith.constant 0 : i32
    return %arg0, %c0_i32 : i32, i32
  }
  func.func @transform_5(%arg0: i32) -> (i32, i32) {
    %c0_i32 = arith.constant 0 : i32
    %c0_i32_0 = arith.constant 0 : i32
    return %arg0, %c0_i32 : i32, i32
  }
}

module attributes {stable_mosaic.version = 14 : i64} {
  func.func @gcn_l23_matmul_tc(%arg0: i32, %arg1: memref<1024x64xf32, #tpu.memory_space<vmem>>, %arg2: memref<1024x64xf32, #tpu.memory_space<vmem>>, %arg3: memref<1024x64xf32, #tpu.memory_space<vmem>>, %arg4: memref<1024x1xf32, #tpu.memory_space<vmem>>, %arg5: memref<1x64xf32, #tpu.memory_space<vmem>>, %arg6: memref<64x64xf32, #tpu.memory_space<vmem>>, %arg7: memref<1024x64xf32, #tpu.memory_space<vmem>>) attributes {dimension_semantics = [#tpu.dimension_semantics<arbitrary>], iteration_bounds = array<i64: 10>, scalar_prefetch = 0 : i64, scratch_operands = 0 : i64, tpu.core_type = #tpu.core_type<tc>, window_params = [{transform_indices = @transform_0, window_bounds = array<i64: 1024, 64>}, {transform_indices = @transform_1, window_bounds = array<i64: 1024, 64>}, {transform_indices = @transform_2, window_bounds = array<i64: 1024, 64>}, {transform_indices = @transform_3, window_bounds = array<i64: 1024, 1>}, {pipeline_mode = #tpu.pipeline_mode<synchronous>, transform_indices = @transform_4, window_bounds = array<i64: 1, 64>}, {pipeline_mode = #tpu.pipeline_mode<synchronous>, transform_indices = @transform_5, window_bounds = array<i64: 64, 64>}, {transform_indices = @transform_6, window_bounds = array<i64: 1024, 64>}]} {
    %get3A = arith.constant 0 : index
    %get3A_0 = arith.constant 0 : index
    %get3A_1 = vector.load %arg1[%get3A, %get3A_0] : memref<1024x64xf32, #tpu.memory_space<vmem>>, vector<1024x64xf32>
    %get3A_2 = arith.constant 0 : index
    %get3A_3 = arith.constant 0 : index
    %get3A_4 = vector.load %arg2[%get3A_2, %get3A_3] : memref<1024x64xf32, #tpu.memory_space<vmem>>, vector<1024x64xf32>
    %add3A = arith.addf %get3A_1, %get3A_4 : vector<1024x64xf32>
    %get3A_5 = arith.constant 0 : index
    %get3A_6 = arith.constant 0 : index
    %get3A_7 = vector.load %arg3[%get3A_5, %get3A_6] : memref<1024x64xf32, #tpu.memory_space<vmem>>, vector<1024x64xf32>
    %add3A_8 = arith.addf %add3A, %get3A_7 : vector<1024x64xf32>
    %get3A_9 = arith.constant 0 : index
    %get3A_10 = arith.constant 0 : index
    %get3A_11 = vector.load %arg4[%get3A_9, %get3A_10] : memref<1024x1xf32, #tpu.memory_space<vmem>>, vector<1024x1xf32>
    %mul3A = vector.broadcast %get3A_11 : vector<1024x1xf32> to vector<1024x64xf32>
    %mul3A_12 = arith.mulf %add3A_8, %mul3A : vector<1024x64xf32>
    %get3A_13 = arith.constant 0 : index
    %get3A_14 = arith.constant 0 : index
    %get3A_15 = vector.load %arg5[%get3A_13, %get3A_14] : memref<1x64xf32, #tpu.memory_space<vmem>>, vector<1x64xf32>
    %add3A_16 = vector.broadcast %get3A_15 : vector<1x64xf32> to vector<1024x64xf32>
    %add3A_17 = arith.addf %mul3A_12, %add3A_16 : vector<1024x64xf32>
    %max3A = arith.constant 0.000000e+00 : f32
    %max3A_18 = vector.broadcast %max3A : f32 to vector<1024x64xf32>
    %max3A_19 = arith.maximumf %add3A_17, %max3A_18 : vector<1024x64xf32>
    %get3A_20 = arith.constant 0 : index
    %get3A_21 = arith.constant 0 : index
    %get3A_22 = vector.load %arg6[%get3A_20, %get3A_21] : memref<64x64xf32, #tpu.memory_space<vmem>>, vector<64x64xf32>
    %dot_general3A = arith.constant dense<0.000000e+00> : vector<1024x64xf32>
    %dot_general3A_23 = tpu.matmul %max3A_19, %get3A_22, %dot_general3A {dimension_numbers = #tpu.dot_dimension_numbers<[1], [0], [0], [1], [0, 0, 1, 1], [], []>, transpose_lhs_hint = false} : vector<1024x64xf32>, vector<64x64xf32>, vector<1024x64xf32> -> vector<1024x64xf32>
    %get3A_24 = arith.constant 0 : index
    %get3A_25 = arith.constant 0 : index
    %get3A_26 = vector.load %arg4[%get3A_24, %get3A_25] : memref<1024x1xf32, #tpu.memory_space<vmem>>, vector<1024x1xf32>
    %mul3A_27 = vector.broadcast %get3A_26 : vector<1024x1xf32> to vector<1024x64xf32>
    %mul3A_28 = arith.mulf %dot_general3A_23, %mul3A_27 : vector<1024x64xf32>
    %swap3A = arith.constant 0 : index
    %swap3A_29 = arith.constant 0 : index
    %swap3A_30 = vector.load %arg7[%swap3A, %swap3A_29] : memref<1024x64xf32, #tpu.memory_space<vmem>>, vector<1024x64xf32>
    tpu.vector_store %arg7[%swap3A, %swap3A_29], %mul3A_28 {strides = array<i32>} : memref<1024x64xf32, #tpu.memory_space<vmem>>, vector<1024x64xf32>,
    return
  }
  func.func @transform_0(%arg0: i32) -> (i32, i32) {
    %c0_i32 = arith.constant 0 : i32
    %c0_i32_0 = arith.constant 0 : i32
    return %arg0, %c0_i32 : i32, i32
  }
  func.func @transform_1(%arg0: i32) -> (i32, i32) {
    %c0_i32 = arith.constant 0 : i32
    %c0_i32_0 = arith.constant 0 : i32
    return %arg0, %c0_i32 : i32, i32
  }
  func.func @transform_2(%arg0: i32) -> (i32, i32) {
    %c0_i32 = arith.constant 0 : i32
    %c0_i32_0 = arith.constant 0 : i32
    return %arg0, %c0_i32 : i32, i32
  }
  func.func @transform_3(%arg0: i32) -> (i32, i32) {
    %c0_i32 = arith.constant 0 : i32
    %c0_i32_0 = arith.constant 0 : i32
    return %arg0, %c0_i32 : i32, i32
  }
  func.func @transform_4(%arg0: i32) -> (i32, i32) {
    %c0_i32 = arith.constant 0 : i32
    %c0_i32_0 = arith.constant 0 : i32
    %c0_i32_1 = arith.constant 0 : i32
    return %c0_i32, %c0_i32_0 : i32, i32
  }
  func.func @transform_5(%arg0: i32) -> (i32, i32) {
    %c0_i32 = arith.constant 0 : i32
    %c0_i32_0 = arith.constant 0 : i32
    %c0_i32_1 = arith.constant 0 : i32
    return %c0_i32, %c0_i32_0 : i32, i32
  }
  func.func @transform_6(%arg0: i32) -> (i32, i32) {
    %c0_i32 = arith.constant 0 : i32
    %c0_i32_0 = arith.constant 0 : i32
    return %arg0, %c0_i32 : i32, i32
  }
}

module attributes {stable_mosaic.version = 14 : i64} {
  func.func @gcn_out_scale_tc(%arg0: i32, %arg1: memref<1024x64xf32, #tpu.memory_space<vmem>>, %arg2: memref<1024x64xf32, #tpu.memory_space<vmem>>, %arg3: memref<1024x64xf32, #tpu.memory_space<vmem>>, %arg4: memref<1024x1xf32, #tpu.memory_space<vmem>>, %arg5: memref<1x64xf32, #tpu.memory_space<vmem>>, %arg6: memref<1024x64xf32, #tpu.memory_space<vmem>>) attributes {dimension_semantics = [#tpu.dimension_semantics<arbitrary>], iteration_bounds = array<i64: 10>, scalar_prefetch = 0 : i64, scratch_operands = 0 : i64, tpu.core_type = #tpu.core_type<tc>, window_params = [{transform_indices = @transform_0, window_bounds = array<i64: 1024, 64>}, {transform_indices = @transform_1, window_bounds = array<i64: 1024, 64>}, {transform_indices = @transform_2, window_bounds = array<i64: 1024, 64>}, {transform_indices = @transform_3, window_bounds = array<i64: 1024, 1>}, {pipeline_mode = #tpu.pipeline_mode<synchronous>, transform_indices = @transform_4, window_bounds = array<i64: 1, 64>}, {transform_indices = @transform_5, window_bounds = array<i64: 1024, 64>}]} {
    %get3A = arith.constant 0 : index
    %get3A_0 = arith.constant 0 : index
    %get3A_1 = vector.load %arg1[%get3A, %get3A_0] : memref<1024x64xf32, #tpu.memory_space<vmem>>, vector<1024x64xf32>
    %get3A_2 = arith.constant 0 : index
    %get3A_3 = arith.constant 0 : index
    %get3A_4 = vector.load %arg2[%get3A_2, %get3A_3] : memref<1024x64xf32, #tpu.memory_space<vmem>>, vector<1024x64xf32>
    %add3A = arith.addf %get3A_1, %get3A_4 : vector<1024x64xf32>
    %get3A_5 = arith.constant 0 : index
    %get3A_6 = arith.constant 0 : index
    %get3A_7 = vector.load %arg3[%get3A_5, %get3A_6] : memref<1024x64xf32, #tpu.memory_space<vmem>>, vector<1024x64xf32>
    %add3A_8 = arith.addf %add3A, %get3A_7 : vector<1024x64xf32>
    %get3A_9 = arith.constant 0 : index
    %get3A_10 = arith.constant 0 : index
    %get3A_11 = vector.load %arg4[%get3A_9, %get3A_10] : memref<1024x1xf32, #tpu.memory_space<vmem>>, vector<1024x1xf32>
    %mul3A = vector.broadcast %get3A_11 : vector<1024x1xf32> to vector<1024x64xf32>
    %mul3A_12 = arith.mulf %add3A_8, %mul3A : vector<1024x64xf32>
    %get3A_13 = arith.constant 0 : index
    %get3A_14 = arith.constant 0 : index
    %get3A_15 = vector.load %arg5[%get3A_13, %get3A_14] : memref<1x64xf32, #tpu.memory_space<vmem>>, vector<1x64xf32>
    %add3A_16 = vector.broadcast %get3A_15 : vector<1x64xf32> to vector<1024x64xf32>
    %add3A_17 = arith.addf %mul3A_12, %add3A_16 : vector<1024x64xf32>
    %swap3A = arith.constant 0 : index
    %swap3A_18 = arith.constant 0 : index
    %swap3A_19 = vector.load %arg6[%swap3A, %swap3A_18] : memref<1024x64xf32, #tpu.memory_space<vmem>>, vector<1024x64xf32>
    tpu.vector_store %arg6[%swap3A, %swap3A_18], %add3A_17 {strides = array<i32>} : memref<1024x64xf32, #tpu.memory_space<vmem>>, vector<1024x64xf32>,
    return
  }
  func.func @transform_0(%arg0: i32) -> (i32, i32) {
    %c0_i32 = arith.constant 0 : i32
    %c0_i32_0 = arith.constant 0 : i32
    return %arg0, %c0_i32 : i32, i32
  }
  func.func @transform_1(%arg0: i32) -> (i32, i32) {
    %c0_i32 = arith.constant 0 : i32
    %c0_i32_0 = arith.constant 0 : i32
    return %arg0, %c0_i32 : i32, i32
  }
  func.func @transform_2(%arg0: i32) -> (i32, i32) {
    %c0_i32 = arith.constant 0 : i32
    %c0_i32_0 = arith.constant 0 : i32
    return %arg0, %c0_i32 : i32, i32
  }
  func.func @transform_3(%arg0: i32) -> (i32, i32) {
    %c0_i32 = arith.constant 0 : i32
    %c0_i32_0 = arith.constant 0 : i32
    return %arg0, %c0_i32 : i32, i32
  }
  func.func @transform_4(%arg0: i32) -> (i32, i32) {
    %c0_i32 = arith.constant 0 : i32
    %c0_i32_0 = arith.constant 0 : i32
    %c0_i32_1 = arith.constant 0 : i32
    return %c0_i32, %c0_i32_0 : i32, i32
  }
  func.func @transform_5(%arg0: i32) -> (i32, i32) {
    %c0_i32 = arith.constant 0 : i32
    %c0_i32_0 = arith.constant 0 : i32
    return %arg0, %c0_i32 : i32, i32
  }
}

</mosaic_0001>

<sc_bundles>
// kernel: gcn_degree_sc.3.cloned.1.call-start
scs
__scs_entry_jumppad:
0x0: {  	(pc) =	sbr.rel $0x88, $3  }
0x1: {  	(tag) =	ssettag $0x0;
	lr =	simm.s32 $0x1  }
0x2: {  	[smem:$0x3F99] =	sst lr;
	_ =	strace $0xD0000000  }
0x3: {  	_ = 	snop  }
0x4: {  	_ = 	snop  }
0x5: {  	_ = 	snop  }
0x6: {  	_ = 	snop  }
0x7: {  	_ = 	snop  }
__scs_overlays_trampoline_lowered:
0x8: {  	[smem:$0x3FA8] =	sst s0  }
0x9: {  	[smem:$0x3FA9] =	sst s1  }
0xa: {  	[smem:$0x3FAA] =	sst s2  }
0xb: {  	[smem:$0x3FAB] =	sst s3  }
0xc: {  	[smem:$0x3FAC] =	sst s4  }
0xd: {  	[smem:$0x3FAD] =	sst s5  }
0xe: {  	[smem:$0x3FAE] =	sst s6  }
0xf: {  	[smem:$0x3FAF] =	sst s7  }
0x10: {  	[smem:$0x3FB0] =	sst s8  }
0x11: {  	[smem:$0x3FB1] =	sst s9;
	s0 =	simm.s32 @!p0 $0x0  }
0x12: {  	s1 =	sld [smem:$0x3F97];
	s0 =	simm.s32 @p0 $0x1  }
0x13: {  	[smem:$0x3FB2] =	sst s0;
	s0 =	simm.s32 @!p1 $0x0  }
0x14: {  	s2 =	sld [smem:$0x3F96];
	s0 =	simm.s32 @p1 $0x1  }
0x15: {  	[smem:$0x3FB3] =	sst s0;
	s0 =	simm.s32 @!p2 $0x0  }
0x16: {  	s3 =	sld [smem:$0x3FDB];
	s0 =	simm.s32 @p2 $0x1  }
0x17: {  	s4 =	simm.s32 $0x1BF5;
	[smem:$0x3FB5] =	sst s0  }
0x18: {  	s0 =	sld [smem:$0x3F98];
	_ =	swait.ge [sflag:s4], $0x0  }
0x19: {  	s7 =	sld [smem:$0x3F99]  }
0x1a: {  	s8 =	sadd.s32 $0xFFFFE003, lr  }
0x1b: {  	s9 =	sadd.s32 $0xFFFFFEF7, lr;
	s5 =	simm.s32 $0xFFFFFFFF;
	p2 =	slt.u32 s8, $0xFFFFF086  }
0x1c: {  	p1 =	slt.u32 s9, $0xF7A;
	s5 =	simm.s32 @!p2 $0x0  }
0x1d: {  	s5 =	simm.s32 @p1 $0x1;
	p0 =	seq.s32 s7, s2  }
0x1e: {  	s7 =	smul.u32 @!p0 $0xF7A, s2;
	p2 =	seq.s32 @!p0 s5, $0x0  }
0x1f: {  	s9 =	smul.u32 $0xF7A, s1;
	s8 =	simm.s32 @!p0 $0x1BF5;
	p2 =	por !p2, p0  }
0x20: {  	[sflag:s8] =	ssyncset.s32 @!p0 $0xFFFFF086;
	s6 =	sadd.s32 @!p0 s3, s7;
	s7 =	simm.s32 @!p0 $0x108  }
0x21: {  	s3 =	sadd.s32 s3, s9;
	s6 =	sadd.s32 @!p0 $0x88, s6;
	s7 =	simm.s32 @p2 $0x1082  }
0x22: {  	[simem:s7], [sflag:s8] =	dma.local @!p0 [hbm:s6], $0xF7A  }
0x23: {  	s9 =	sor.u32 $0xD0000000, s2;
	s6 =	simm.s32 $0x108;
	_ =	swait.ge @!p0 [sflag:s8], $0x0  }
0x24: {  	s3 =	sadd.s32 $0x88, s3;
	s6 =	simm.s32 @!p1 $0x1082;
	[sflag:s4] =	ssyncset.s32 $0xFFFFF086  }
0x25: {  	[simem:s6], [sflag:s4] =	dma.local [hbm:s3], $0xF7A  }
0x26: {  	[smem:$0x3F99] =	sst s1;
	(tag) =	ssettag s2;
	_ =	strace s9  }
0x27: {  	s1 =	sld [smem:$0x3FA9]  }
0x28: {  	s2 =	sld [smem:$0x3FAA]  }
0x29: {  	s4 =	sld [smem:$0x3FAC]  }
0x2a: {  	p0 =	seq.s32 s5, $0x0;
	s5 =	sld [smem:$0x3FAD]  }
0x2b: {  	s6 =	sld [smem:$0x3FAE]  }
0x2c: {  	s7 =	sld [smem:$0x3FAF]  }
0x2d: {  	s3 =	simm.s32 $0x108;
	s8 =	sld [smem:$0x3FB0]  }
0x2e: {  	s3 =	simm.s32 @!p0 $0x1082;
	s9 =	sld [smem:$0x3FB1]  }
0x2f: {  	lr =	sadd.s32 s0, s3;
	s0 =	sld [smem:$0x3FA8]  }
0x30: {  	s3 =	sld [smem:$0x3FAB]  }
0x31: {  	[smem:$0x3FB4] =	sst s10  }
0x32: {  	s10 =	sld [smem:$0x3FB2];
	_ =	sdelay $0x3  }
0x33: {  	p0 =	seq.s32 s10, $0x1;
	s10 =	sld [smem:$0x3FB4];
	_ =	sdelay $0x3  }
0x34: {  	[smem:$0x3FB4] =	sst s10  }
0x35: {  	s10 =	sld [smem:$0x3FB3];
	_ =	sdelay $0x3  }
0x36: {  	p1 =	seq.s32 s10, $0x1;
	s10 =	sld [smem:$0x3FB4];
	_ =	sdelay $0x3  }
0x37: {  	[smem:$0x3FB4] =	sst s10  }
0x38: {  	s10 =	sld [smem:$0x3FB5]  }
0x39: {  	_ = 	snop;
	(pc) =	sbr.ind lr, $3  }
0x3a: {  	_ = 	snop  }
0x3b: {  	_ = 	snop  }
0x3c: {  	p2 =	seq.s32 s10, $0x1;
	s10 =	sld [smem:$0x3FB4]  }
0x3d: {  	_ =	shalt  }
0x3e: {  	_ =	shalt  }
0x3f: {  	_ =	shalt  }
0x40: {  	_ =	shalt  }
0x41: {  	_ =	shalt  }
0x42: {  	_ =	shalt  }
0x43: {  	_ =	shalt  }
0x44: {  	_ =	shalt  }
0x45: {  	_ =	shalt  }
0x46: {  	_ =	shalt  }
0x47: {  	_ =	shalt  }
0x48: {  	_ =	shalt  }
0x49: {  	_ =	shalt  }
0x4a: {  	_ =	shalt  }
0x4b: {  	_ =	shalt  }
0x4c: {  	_ =	shalt  }
0x4d: {  	_ =	shalt  }
0x4e: {  	_ =	shalt  }
0x4f: {  	_ =	shalt  }
0x50: {  	_ =	shalt  }
0x51: {  	_ =	shalt  }
0x52: {  	_ =	shalt  }
0x53: {  	_ =	shalt  }
0x54: {  	_ =	shalt  }
0x55: {  	_ =	shalt  }
0x56: {  	_ =	shalt  }
0x57: {  	_ =	shalt  }
0x58: {  	_ =	shalt  }
0x59: {  	_ =	shalt  }
0x5a: {  	_ =	shalt  }
0x5b: {  	_ =	shalt  }
0x5c: {  	_ =	shalt  }
0x5d: {  	_ =	shalt  }
0x5e: {  	_ =	shalt  }
0x5f: {  	_ =	shalt  }
0x60: {  	_ =	shalt  }
0x61: {  	_ =	shalt  }
0x62: {  	_ =	shalt  }
0x63: {  	_ =	shalt  }
0x64: {  	_ =	shalt  }
0x65: {  	_ =	shalt  }
0x66: {  	_ =	shalt  }
0x67: {  	_ =	shalt  }
0x68: {  	_ =	shalt  }
0x69: {  	_ =	shalt  }
0x6a: {  	_ =	shalt  }
0x6b: {  	_ =	shalt  }
0x6c: {  	_ =	shalt  }
0x6d: {  	_ =	shalt  }
0x6e: {  	_ =	shalt  }
0x6f: {  	_ =	shalt  }
0x70: {  	_ =	shalt  }
0x71: {  	_ =	shalt  }
0x72: {  	_ =	shalt  }
0x73: {  	_ =	shalt  }
0x74: {  	_ =	shalt  }
0x75: {  	_ =	shalt  }
0x76: {  	_ =	shalt  }
0x77: {  	_ =	shalt  }
0x78: {  	_ =	shalt  }
0x79: {  	_ =	shalt  }
0x7a: {  	_ =	shalt  }
0x7b: {  	_ =	shalt  }
0x7c: {  	_ =	shalt  }
0x7d: {  	_ =	shalt  }
0x7e: {  	_ =	shalt  }
0x7f: {  	_ =	shalt  }
0x80: {  	_ =	shalt  }
0x81: {  	_ =	shalt  }
0x82: {  	_ =	shalt  }
0x83: {  	_ =	shalt  }
0x84: {  	_ =	shalt  }
0x85: {  	_ =	shalt  }
0x86: {  	_ =	shalt  }
0x87: {  	_ =	shalt  }
.Lfunc_end0:
.L_simem_size_0:
called_computation_lowered:
.L_overlay_start_0:
0x88: {  	s2 =	sld [smem:$0x3FD9]  }
0x89: {  	s3 =	sld [smem:$0x3FFE];
	_ =	sdelay $0x1  }
0x8a: {  	s1 =	srdreg.scid  }
0x8b: {  	s0 =	sand.u32 $0x1, s1  }
0x8c: {  	s14 =	sshll.u32 s0, $0xA;
	s2 =	sadd.s32 s3, s2  }
0x8d: {  	s2 =	sadd.s32 s2, s14  }
0x8e: {  	[smem:$0x3FC0] =	sst s2  }
0x8f: {  	_ = 	snop  }
0x90: {  	s2 =	sld [smem:$0x3FD0];
	_ =	sdelay $0x2  }
0x91: {  	s15 =	simm.s32 $0xA;
	s4 =	simm.s32 $0x10  }
0x92: {  	[smem:s4], [sflag:s15] =	dma.local [hbm:s2], $0x1  }
0x93: {  	_ =	swait.eq [sflag:s15], $0x1  }
0x94: {  	[sflag:s15] =	ssyncset.done $0x0  }
0x95: {  	s16 =	sld [smem:$0x10];
	[sflag:s15] =	ssyncadd.s32 $0xFFFFFFFF  }
0x96: {  	s17 =	sld [smem:$0x11];
	(tm) =	ssettm $0x1  }
0x97: {  	s18 =	sld [smem:$0x3FFB];
	_ =	sdelay $0x3  }
0x98: {  	_ =	strace s18  }
0x99: {  	s4 =	sld [smem:$0x3FFC];
	_ =	sdelay $0x3  }
0x9a: {  	_ =	strace s4  }
0x9b: {  	s4 =	sld [smem:$0x3FFD];
	_ =	sdelay $0x3  }
0x9c: {  	_ =	strace s4  }
0x9d: {  	_ =	strace $0x8FFFFFFF  }
0x9e: {  	s19 =	sld [smem:$0x3FDB];
	_ =	sdelay $0x1  }
0x9f: {  	s5 =	simm.s32 $_scs_section_size  }
0xa0: {  	s6 =	simm.s32 $_size__tile_overlayer_lowered;
	s7 =	simm.s32 $_tile_overlayer_lowered  }
0xa1: {  	s22 =	simm.s32 $0x1BFF;
	s21 =	sshll.u32 s7, $0x1;
	s4 =	sadd.s32 s5, s19  }
0xa2: {  	s8 =	simm.s32 $0x0;
	s20 =	sshll.u32 s6, $0x1;
	s6 =	sadd.s32 s21, s4  }
0xa3: {  	[timem:s8], [sflag:s22] =	dma.local [hbm:s6], s20  }
0xa4: {  	_ =	swait.ge [sflag:s22], s20  }
0xa5: {  	s5 =	ssub.s32 $0x0, s20;
	[sflag:s22] =	ssyncset.done $0x0  }
0xa6: {  	[sflag:s22] =	ssyncadd.s32 s5;
	_ =	sdelay $0x1  }
0xa7: {  	s23 =	simm.s32 $0x1B8B  }
0xa8: {  	_ =	swait.ge [sflag:s23], $0x1  }
0xa9: {  	[sflag:s23] =	ssyncset.done $0x0  }
0xaa: {  	s25 =	simm.s32 $0x1B8E;
	s24 =	sld [smem:$0x3FFE];
	[sflag:s23] =	ssyncadd.s32 $0xFFFFFFFF  }
0xab: {  	s26 =	simm.s32 $execute0_lowered;
	[smem:$0x3FD2] =	sst s25  }
0xac: {  	s6 =	sshll.u32 s26, $0x1;
	_ =	strace $0x80000046;
	[dreg:$0x1] =	wrdreg $0xFFFFFFFF  }
0xad: {  	s28 =	simm.s32 $_size_execute0_lowered;
	s4 =	sadd.s32 s4, s6;
	[dreg:$0x0] =	wrdreg $0x0  }
0xae: {  	s6 =	sshll.u32 s28, $0x1;
	[dreg:$0x2] =	wrdreg s4  }
0xaf: {  	[dreg:$0x3] =	wrdreg s6  }
0xb0: {  	[dreg:$0x4] =	wrdreg $0xC0  }
0xb1: {  	_ =	task [dreg:s8], $0x5FFFF  }
0xb2: {  	[dreg:$0x1] =	wrdreg $0xFFFFFFFF  }
0xb3: {  	[dreg:$0x0] =	wrdreg $0x60  }
0xb4: {  	[dreg:$0x2] =	wrdreg s24  }
0xb5: {  	[dreg:$0x3] =	wrdreg s16  }
0xb6: {  	[dreg:$0x4] =	wrdreg s17  }
0xb7: {  	[dreg:$0x5] =	wrdreg $0x0  }
0xb8: {  	[dreg:$0x6] =	wrdreg $0x9  }
0xb9: {  	_ =	task.clear_ibuf [dreg:s8], $0x7FFFF;
	_ =	strace $0x90000046  }
0xba: {  	s29 =	simm.s32 $0x9;
	_ =	strace $0x80000048  }
0xbb: {  	_ =	swait.ge [sflag:s29], $0x1  }
0xbc: {  	[sflag:s29] =	ssyncadd.s32 $0xFFFFFFFF  }
0xbd: {  	_ =	strace $0x90000048  }
0xbe: {  	_ =	sfence  }
0xbf: {  	s30 =	sld [smem:$0x0];
	_ =	sdelay $0x2  }
0xc0: {  	s31 =	sshll.u32 s1, $0xD;
	s1 =	sshrl.u32 s1, $0x2  }
0xc1: {  	s3 =	sand.u32 $0x4000, s31;
	s1 =	sadd.s32 s1, s30  }
0xc2: {  	s0 =	sor.u32 s3, s0;
	s1 =	sshll.u32 s1, $0x11  }
0xc3: {  	s0 =	sor.u32 s1, s0  }
0xc4: {  	s0 =	sadd.s32 $0x8F2B, s0  }
0xc5: {  	[sflag:s0] =	ssyncadd.remote.s32 $0x1  }
0xc6: {  	_ =	sfence.sel $0xFFFF  }
0xc7: {  	[dreg:$0x0] =	wrdreg $0xFFFFFFFF;
	(pc) =	sbr.abs _section_cstart, $3  }
0xc8: {  	[dreg:$0x1] =	wrdreg $0xFFFFFFFF  }
0xc9: {  	_ =	task.clear_ibuf [dreg:s8], $0x2FFFF;
	_ =	strace $0x9FFFFFFF  }
0xca: {  	(tm) =	ssettm $0x7FFFFFFF  }
0xcb: {  	_ =	shalt  }
tec
execute0_lowered:
.L_overlay_start_1:
0x0: {  	(tag) =	ssettag $0x1  }
0x1: {  	s5 =	rddreg [dreg:$0x0]  }
0x2: {  	s1 =	rddreg [dreg:$0x1]  }
0x3: {  	s6 =	rddreg [dreg:$0x2]  }
0x4: {  	s3 =	rddreg [dreg:$0x3];
	s4 =	srdreg.scid  }
0x5: {  	s0 =	rddreg [dreg:$0x4];
	s2 =	stileid.u32  }
0x6: {  	s13 =	simm.s32 $0x3000;
	s14 =	simm.s32 $0x80;
	s15 =	simm.s32 $0x0  }
0x7: {  	s7 =	sand.u32 $0x1, s4;
	s4 =	simm.s32 $0x0;
	s9 =	smul.u32 $0x500, s2  }
0x8: {  	s28 =	smul.u32 $0x2800, s2;
	s31 =	sshll.u32 s2, $0x6;
	s8 =	sshll.u32 s7, $0x4  }
0x9: {  	[smem:$0x7FF] =	sst s4;
	s10 =	smul.u32 $0x5000, s7;
	s7 =	ssub.s32 $0x2, s7  }
0xa: {  	s8 =	sor.u32 s2, s8;
	_ =	strace $0x80000047;
	s29 =	sshrl.u32 s7, $0x1  }
0xb: {  	s12 =	sadd.s32 s28, s3;
	s30 =	sshrl.u32 s28, $0x3;
	s8 =	smul.u32 $0x500, s8  }
0xc: {  	s9 =	sadd.s32 s9, s10;
	s11 =	ssub.s32 s7, s29;
	s10 =	simm.s32 $0x1  }
0xd: {  	s12 =	sshrl.u32 s12, $0x3;
	s9 =	sadd.s32 s9, s5;
	s8 =	sadd.s32 s8, s5  }
0xe: {  	s5 =	sadd.s32 s6, s30;
	s7 =	sadd.s32 $0xC400, s9;
	s9 =	simm.s32 $0x2800  }
0xf: {  	s6 =	sadd.s32 $0x2400, s8;
	s8 =	smax.u32 s11, $0x1;
	s11 =	sor.u32 $0x1C01, s31  }
.LBB2_1:
0x10: {  	[tilespmem:s9], [sflag:$0x1] =	stream.linear.gather [hbm4b:s1+s4], $0x800, $0x38;
	[tilespmem:$0x5800] =	vst v63  }
0x11: {  	_ =	swait.ge [sflag:s10], $0x800  }
0x12: {  	[sflag:s10] =	ssyncset.done $0x0  }
0x13: {  	[sflag:s10] =	ssyncadd.s32 $0xFFFFF800  }
0x14: {  	[spmem:s12], [sflag:s11] =	dma.local [hbm:s5], $0x500  }
0x15: {  	_ =	swait.ge [sflag:s10], $0x500  }
0x16: {  	[sflag:s10] =	ssyncset.done $0x0  }
0x17: {  	[sflag:s10] =	ssyncadd.s32 $0xFFFFFB00  }
0x18: {  	[tilespmem:s13], [sflag:$0x1] =	stream.linear.gather [hbm4b:s6+s4], $0x2800, $0x38;
	[tilespmem:$0x5800] =	vst v63  }
0x19: {  	_ =	swait.ge [sflag:s10], $0x2800  }
0x1a: {  	[sflag:s10] =	ssyncset.done $0x0  }
0x1b: {  	[sflag:s10] =	ssyncadd.s32 $0xFFFFD800  }
0x1c: {  	s16 =	simm.s32 $0x3000;
	[bflag:$0x0] =	sbarrier.arrive $0xFFFF  }
0x1d: {  	[spmem:s3] =	stream.indirect.scatter.add.f32 [tilespmem:s9], [sflag:$0x1], $0x10, s16, s14, $0xb8;
	[tilespmem:$0x5800] =	vst v63  }
0x1e: {  	s16 =	simm.s32 $0x200;
	_ =	swait.ge [sflag:s10], $0x800  }
.LBB2_2:
0x1f: {  	s17 =	sshra.s32 s16, $0x2;
	[sflag:s10] =	ssyncset.done $0x0;
	p0 =	sne.s32 s16, $0x9E00  }
.Ltmp0:
0x20: {  	s17 =	sadd.s32 $0x3000, s17;
	[sflag:s10] =	ssyncadd.s32 $0xFFFFF800;
	(pc) =	sbr.rel @p0 .LBB2_2-.Ltmp0, $3  }
0x21: {  	[spmem:s3] =	stream.indirect.scatter.add.f32 [tilespmem:s9], [sflag:$0x1], $0x10, s17, s14, $0xb8;
	[tilespmem:$0x5800] =	vst v63  }
0x22: {  	s16 =	sadd.s32 $0x200, s16;
	_ =	sdelay $0x1  }
0x23: {  	_ =	swait.ge [sflag:s10], $0x800  }
0x24: {  	[sflag:s10] =	ssyncset.done $0x0;
	s15 =	sadd.s32 $0x1, s15  }
0x25: {  	[sflag:s10] =	ssyncadd.s32 $0xFFFFF800;
	p0 =	sne.s32 s15, s8  }
.Ltmp1:
0x26: {  	[bflag:$0x0] =	sbarrier.arrive $0xFFFF;
	(pc) =	sbr.rel @p0 .LBB2_1-.Ltmp1, $4  }
0x27: {  	[hbm:s7], [sflag:s11] =	dma.local [spmem:s12], $0x500  }
0x28: {  	_ =	swait.ge [sflag:s10], $0x500  }
0x29: {  	[sflag:s10] =	ssyncset.done $0x0  }
0x2a: {  	[sflag:s10] =	ssyncadd.s32 $0xFFFFFB00  }
0x2b: {  	_ =	sfence.sel $0x180000  }
0x2c: {  	[bflag:$0x0] =	sbarrier.arrive $0xFFFF  }
0x2d: {  	p0 =	sne.s32 s2, $0x0;
	_ =	strace $0x90000047  }
0x2e: {  	s0 =	sadd.s32 @!p0 $0x100000, s0;
	[bflag:$0x2] =	sbarrier.arrive $0xFFFF  }
0x2f: {  	[sflag:s0] =	ssyncadd.tile.s32 @!p0 $0x1;
	_ =	shalt  }
.Lfunc_end2:
_tile_overlayer_lowered:
.L_overlay_start_2:
0x30: {  	(tag) =	ssettag $0x2  }
0x31: {  	s0 =	rddreg [dreg:$0x0];
	s2 =	stileid.u32  }
0x32: {  	s1 =	rddreg [dreg:$0x1];
	p0 =	sne.s32 s2, $0x0  }
0x33: {  	s3 =	rddreg [dreg:$0x2];
	[bflag:$0x3] =	sbarrier.arrive $0xFFFF;
	s2 =	simm.s32 @!p0 $0x1C01  }
0x34: {  	[timem:s3], [sflag:s2] =	dma.local @!p0 [hbm:s0], s1  }
0x35: {  	s0 =	simm.s32 @!p0 $0x1  }
0x36: {  	_ =	swait.ge @!p0 [sflag:s0], s1  }
0x37: {  	s1 =	ssub.s32 @!p0 $0x0, s1;
	[sflag:s0] =	ssyncset.done @!p0 $0x0  }
0x38: {  	[sflag:s0] =	ssyncadd.s32 @!p0 s1  }
0x39: {  	[bflag:$0x3] =	sbarrier.arrive $0xFFFF  }
0x3a: {  	_ =	shalt  }

// kernel: gcn_edge_scatter_sc.4.cloned.1.call-start
scs
__scs_entry_jumppad:
0x0: {  	(pc) =	sbr.rel $0x88, $3  }
0x1: {  	(tag) =	ssettag $0x0;
	lr =	simm.s32 $0x1  }
0x2: {  	[smem:$0x3F99] =	sst lr;
	_ =	strace $0xD0000000  }
0x3: {  	_ = 	snop  }
0x4: {  	_ = 	snop  }
0x5: {  	_ = 	snop  }
0x6: {  	_ = 	snop  }
0x7: {  	_ = 	snop  }
__scs_overlays_trampoline_lowered:
0x8: {  	[smem:$0x3FA8] =	sst s0  }
0x9: {  	[smem:$0x3FA9] =	sst s1  }
0xa: {  	[smem:$0x3FAA] =	sst s2  }
0xb: {  	[smem:$0x3FAB] =	sst s3  }
0xc: {  	[smem:$0x3FAC] =	sst s4  }
0xd: {  	[smem:$0x3FAD] =	sst s5  }
0xe: {  	[smem:$0x3FAE] =	sst s6  }
0xf: {  	[smem:$0x3FAF] =	sst s7  }
0x10: {  	[smem:$0x3FB0] =	sst s8  }
0x11: {  	[smem:$0x3FB1] =	sst s9;
	s0 =	simm.s32 @!p0 $0x0  }
0x12: {  	s1 =	sld [smem:$0x3F97];
	s0 =	simm.s32 @p0 $0x1  }
0x13: {  	[smem:$0x3FB2] =	sst s0;
	s0 =	simm.s32 @!p1 $0x0  }
0x14: {  	s2 =	sld [smem:$0x3F96];
	s0 =	simm.s32 @p1 $0x1  }
0x15: {  	[smem:$0x3FB3] =	sst s0;
	s0 =	simm.s32 @!p2 $0x0  }
0x16: {  	s3 =	sld [smem:$0x3FDB];
	s0 =	simm.s32 @p2 $0x1  }
0x17: {  	s4 =	simm.s32 $0x1BF5;
	[smem:$0x3FB5] =	sst s0  }
0x18: {  	s0 =	sld [smem:$0x3F98];
	_ =	swait.ge [sflag:s4], $0x0  }
0x19: {  	s7 =	sld [smem:$0x3F99]  }
0x1a: {  	s8 =	sadd.s32 $0xFFFFE003, lr  }
0x1b: {  	s9 =	sadd.s32 $0xFFFFFEF7, lr;
	s5 =	simm.s32 $0xFFFFFFFF;
	p2 =	slt.u32 s8, $0xFFFFF086  }
0x1c: {  	p1 =	slt.u32 s9, $0xF7A;
	s5 =	simm.s32 @!p2 $0x0  }
0x1d: {  	s5 =	simm.s32 @p1 $0x1;
	p0 =	seq.s32 s7, s2  }
0x1e: {  	s7 =	smul.u32 @!p0 $0xF7A, s2;
	p2 =	seq.s32 @!p0 s5, $0x0  }
0x1f: {  	s9 =	smul.u32 $0xF7A, s1;
	s8 =	simm.s32 @!p0 $0x1BF5;
	p2 =	por !p2, p0  }
0x20: {  	[sflag:s8] =	ssyncset.s32 @!p0 $0xFFFFF086;
	s6 =	sadd.s32 @!p0 s3, s7;
	s7 =	simm.s32 @!p0 $0x108  }
0x21: {  	s3 =	sadd.s32 s3, s9;
	s6 =	sadd.s32 @!p0 $0x88, s6;
	s7 =	simm.s32 @p2 $0x1082  }
0x22: {  	[simem:s7], [sflag:s8] =	dma.local @!p0 [hbm:s6], $0xF7A  }
0x23: {  	s9 =	sor.u32 $0xD0000000, s2;
	s6 =	simm.s32 $0x108;
	_ =	swait.ge @!p0 [sflag:s8], $0x0  }
0x24: {  	s3 =	sadd.s32 $0x88, s3;
	s6 =	simm.s32 @!p1 $0x1082;
	[sflag:s4] =	ssyncset.s32 $0xFFFFF086  }
0x25: {  	[simem:s6], [sflag:s4] =	dma.local [hbm:s3], $0xF7A  }
0x26: {  	[smem:$0x3F99] =	sst s1;
	(tag) =	ssettag s2;
	_ =	strace s9  }
0x27: {  	s1 =	sld [smem:$0x3FA9]  }
0x28: {  	s2 =	sld [smem:$0x3FAA]  }
0x29: {  	s4 =	sld [smem:$0x3FAC]  }
0x2a: {  	p0 =	seq.s32 s5, $0x0;
	s5 =	sld [smem:$0x3FAD]  }
0x2b: {  	s6 =	sld [smem:$0x3FAE]  }
0x2c: {  	s7 =	sld [smem:$0x3FAF]  }
0x2d: {  	s3 =	simm.s32 $0x108;
	s8 =	sld [smem:$0x3FB0]  }
0x2e: {  	s3 =	simm.s32 @!p0 $0x1082;
	s9 =	sld [smem:$0x3FB1]  }
0x2f: {  	lr =	sadd.s32 s0, s3;
	s0 =	sld [smem:$0x3FA8]  }
0x30: {  	s3 =	sld [smem:$0x3FAB]  }
0x31: {  	[smem:$0x3FB4] =	sst s10  }
0x32: {  	s10 =	sld [smem:$0x3FB2];
	_ =	sdelay $0x3  }
0x33: {  	p0 =	seq.s32 s10, $0x1;
	s10 =	sld [smem:$0x3FB4];
	_ =	sdelay $0x3  }
0x34: {  	[smem:$0x3FB4] =	sst s10  }
0x35: {  	s10 =	sld [smem:$0x3FB3];
	_ =	sdelay $0x3  }
0x36: {  	p1 =	seq.s32 s10, $0x1;
	s10 =	sld [smem:$0x3FB4];
	_ =	sdelay $0x3  }
0x37: {  	[smem:$0x3FB4] =	sst s10  }
0x38: {  	s10 =	sld [smem:$0x3FB5]  }
0x39: {  	_ = 	snop;
	(pc) =	sbr.ind lr, $3  }
0x3a: {  	_ = 	snop  }
0x3b: {  	_ = 	snop  }
0x3c: {  	p2 =	seq.s32 s10, $0x1;
	s10 =	sld [smem:$0x3FB4]  }
0x3d: {  	_ =	shalt  }
0x3e: {  	_ =	shalt  }
0x3f: {  	_ =	shalt  }
0x40: {  	_ =	shalt  }
0x41: {  	_ =	shalt  }
0x42: {  	_ =	shalt  }
0x43: {  	_ =	shalt  }
0x44: {  	_ =	shalt  }
0x45: {  	_ =	shalt  }
0x46: {  	_ =	shalt  }
0x47: {  	_ =	shalt  }
0x48: {  	_ =	shalt  }
0x49: {  	_ =	shalt  }
0x4a: {  	_ =	shalt  }
0x4b: {  	_ =	shalt  }
0x4c: {  	_ =	shalt  }
0x4d: {  	_ =	shalt  }
0x4e: {  	_ =	shalt  }
0x4f: {  	_ =	shalt  }
0x50: {  	_ =	shalt  }
0x51: {  	_ =	shalt  }
0x52: {  	_ =	shalt  }
0x53: {  	_ =	shalt  }
0x54: {  	_ =	shalt  }
0x55: {  	_ =	shalt  }
0x56: {  	_ =	shalt  }
0x57: {  	_ =	shalt  }
0x58: {  	_ =	shalt  }
0x59: {  	_ =	shalt  }
0x5a: {  	_ =	shalt  }
0x5b: {  	_ =	shalt  }
0x5c: {  	_ =	shalt  }
0x5d: {  	_ =	shalt  }
0x5e: {  	_ =	shalt  }
0x5f: {  	_ =	shalt  }
0x60: {  	_ =	shalt  }
0x61: {  	_ =	shalt  }
0x62: {  	_ =	shalt  }
0x63: {  	_ =	shalt  }
0x64: {  	_ =	shalt  }
0x65: {  	_ =	shalt  }
0x66: {  	_ =	shalt  }
0x67: {  	_ =	shalt  }
0x68: {  	_ =	shalt  }
0x69: {  	_ =	shalt  }
0x6a: {  	_ =	shalt  }
0x6b: {  	_ =	shalt  }
0x6c: {  	_ =	shalt  }
0x6d: {  	_ =	shalt  }
0x6e: {  	_ =	shalt  }
0x6f: {  	_ =	shalt  }
0x70: {  	_ =	shalt  }
0x71: {  	_ =	shalt  }
0x72: {  	_ =	shalt  }
0x73: {  	_ =	shalt  }
0x74: {  	_ =	shalt  }
0x75: {  	_ =	shalt  }
0x76: {  	_ =	shalt  }
0x77: {  	_ =	shalt  }
0x78: {  	_ =	shalt  }
0x79: {  	_ =	shalt  }
0x7a: {  	_ =	shalt  }
0x7b: {  	_ =	shalt  }
0x7c: {  	_ =	shalt  }
0x7d: {  	_ =	shalt  }
0x7e: {  	_ =	shalt  }
0x7f: {  	_ =	shalt  }
0x80: {  	_ =	shalt  }
0x81: {  	_ =	shalt  }
0x82: {  	_ =	shalt  }
0x83: {  	_ =	shalt  }
0x84: {  	_ =	shalt  }
0x85: {  	_ =	shalt  }
0x86: {  	_ =	shalt  }
0x87: {  	_ =	shalt  }
.Lfunc_end0:
.L_simem_size_0:
called_computation.1_lowered:
.L_overlay_start_0:
0x88: {  	s2 =	sld [smem:$0x3FD9]  }
0x89: {  	s3 =	sld [smem:$0x3FFE];
	_ =	sdelay $0x1  }
0x8a: {  	s1 =	srdreg.scid  }
0x8b: {  	s0 =	sand.u32 $0x1, s1  }
0x8c: {  	s16 =	sshll.u32 s0, $0xA;
	s2 =	sadd.s32 s3, s2  }
0x8d: {  	s2 =	sadd.s32 s2, s16  }
0x8e: {  	[smem:$0x3FC0] =	sst s2  }
0x8f: {  	_ = 	snop  }
0x90: {  	(tm) =	ssettm $0x1  }
0x91: {  	s17 =	sld [smem:$0x3FFB];
	_ =	sdelay $0x3  }
0x92: {  	_ =	strace s17  }
0x93: {  	s2 =	sld [smem:$0x3FFC];
	_ =	sdelay $0x3  }
0x94: {  	_ =	strace s2  }
0x95: {  	s2 =	sld [smem:$0x3FFD];
	_ =	sdelay $0x3  }
0x96: {  	_ =	strace s2  }
0x97: {  	_ =	strace $0x8FFFFFFF  }
0x98: {  	s18 =	sld [smem:$0x3FDB];
	_ =	sdelay $0x1  }
0x99: {  	s19 =	simm.s32 $_scs_section_size  }
0x9a: {  	s4 =	simm.s32 $_size__tile_overlayer_lowered;
	s5 =	simm.s32 $_tile_overlayer_lowered  }
0x9b: {  	s22 =	simm.s32 $0x1BFF;
	s21 =	sshll.u32 s5, $0x1;
	s2 =	sadd.s32 s19, s18  }
0x9c: {  	s6 =	simm.s32 $0x0;
	s20 =	sshll.u32 s4, $0x1;
	s4 =	sadd.s32 s21, s2  }
0x9d: {  	[timem:s6], [sflag:s22] =	dma.local [hbm:s4], s20  }
0x9e: {  	_ =	swait.ge [sflag:s22], s20  }
0x9f: {  	s3 =	ssub.s32 $0x0, s20;
	[sflag:s22] =	ssyncset.done $0x0  }
0xa0: {  	[sflag:s22] =	ssyncadd.s32 s3;
	_ =	sdelay $0x1  }
0xa1: {  	s23 =	simm.s32 $0x1B8B  }
0xa2: {  	_ =	swait.ge [sflag:s23], $0x1  }
0xa3: {  	[sflag:s23] =	ssyncset.done $0x0  }
0xa4: {  	s25 =	simm.s32 $0x1B8E;
	s24 =	sld [smem:$0x3FFE];
	[sflag:s23] =	ssyncadd.s32 $0xFFFFFFFF  }
0xa5: {  	s26 =	simm.s32 $execute0_lowered;
	[smem:$0x3FD2] =	sst s25  }
0xa6: {  	s4 =	sshll.u32 s26, $0x1;
	_ =	strace $0x80000049;
	[dreg:$0x1] =	wrdreg $0xFFFFFFFF  }
0xa7: {  	s28 =	simm.s32 $_size_execute0_lowered;
	s2 =	sadd.s32 s2, s4;
	[dreg:$0x0] =	wrdreg $0x0  }
0xa8: {  	s4 =	sshll.u32 s28, $0x1;
	[dreg:$0x2] =	wrdreg s2  }
0xa9: {  	[dreg:$0x3] =	wrdreg s4  }
0xaa: {  	[dreg:$0x4] =	wrdreg $0xC0  }
0xab: {  	_ =	task [dreg:s6], $0x5FFFF  }
0xac: {  	[dreg:$0x1] =	wrdreg $0xFFFFFFFF  }
0xad: {  	[dreg:$0x0] =	wrdreg $0x60  }
0xae: {  	[dreg:$0x2] =	wrdreg s24  }
0xaf: {  	[dreg:$0x3] =	wrdreg $0x0  }
0xb0: {  	[dreg:$0x4] =	wrdreg $0xA0000  }
0xb1: {  	[dreg:$0x5] =	wrdreg $0x9  }
0xb2: {  	_ =	task.clear_ibuf [dreg:s6], $0x6FFFF;
	_ =	strace $0x90000049  }
0xb3: {  	s29 =	simm.s32 $0x9;
	_ =	strace $0x8000004B  }
0xb4: {  	_ =	swait.ge [sflag:s29], $0x1  }
0xb5: {  	[sflag:s29] =	ssyncadd.s32 $0xFFFFFFFF  }
0xb6: {  	_ =	strace $0x9000004B  }
0xb7: {  	_ =	sfence  }
0xb8: {  	s30 =	sld [smem:$0x0];
	_ =	sdelay $0x2  }
0xb9: {  	s31 =	sshll.u32 s1, $0xD;
	s1 =	sshrl.u32 s1, $0x2  }
0xba: {  	s3 =	sand.u32 $0x4000, s31;
	s1 =	sadd.s32 s1, s30  }
0xbb: {  	s0 =	sor.u32 s3, s0;
	s1 =	sshll.u32 s1, $0x11  }
0xbc: {  	s0 =	sor.u32 s1, s0  }
0xbd: {  	s0 =	sadd.s32 $0x8F2B, s0  }
0xbe: {  	[sflag:s0] =	ssyncadd.remote.s32 $0x1  }
0xbf: {  	_ =	sfence.sel $0xFFFF  }
0xc0: {  	[dreg:$0x0] =	wrdreg $0xFFFFFFFF;
	(pc) =	sbr.abs _section_cstart, $3  }
0xc1: {  	[dreg:$0x1] =	wrdreg $0xFFFFFFFF  }
0xc2: {  	_ =	task.clear_ibuf [dreg:s6], $0x2FFFF;
	_ =	strace $0x9FFFFFFF  }
0xc3: {  	(tm) =	ssettm $0x7FFFFFFF  }
tec
execute0_lowered:
.L_overlay_start_1:
0x0: {  	(tag) =	ssettag $0x1  }
0x1: {  	s6 =	rddreg [dreg:$0x0]  }
0x2: {  	s0 =	srdreg.scid;
	s2 =	rddreg [dreg:$0x1]  }
0x3: {  	s3 =	rddreg [dreg:$0x2];
	s4 =	simm.s32 $0x0;
	s16 =	simm.s32 $0x1A800  }
0x4: {  	s17 =	simm.s32 $0x80;
	s18 =	simm.s32 $0x14000;
	s19 =	simm.s32 $0x16000  }
0x5: {  	s20 =	simm.s32 $0x1;
	s21 =	simm.s32 $0x2;
	s22 =	simm.s32 $0x1A780  }
0x6: {  	s23 =	simm.s32 $0x1CF00;
	s5 =	sand.u32 $0x1, s0;
	s0 =	stileid.u32  }
0x7: {  	s24 =	simm.s32 $0x1CF80;
	s25 =	simm.s32 $0x0;
	s8 =	smul.u32 $0xA000, s0  }
0x8: {  	[smem:$0x7FF] =	sst s4;
	s1 =	sshll.u32 s5, $0x4;
	s9 =	smul.u32 $0x1400, s0  }
0x9: {  	s10 =	smul.u32 $0x14000, s5;
	s5 =	ssub.s32 $0x2, s5;
	s1 =	sor.u32 s0, s1  }
0xa: {  	s31 =	sshll.u32 s0, $0x6;
	s30 =	sshrl.u32 s5, $0x1;
	s7 =	smul.u32 $0x500, s1  }
0xb: {  	s1 =	rddreg [dreg:$0x3];
	_ =	strace $0x8000004A;
	s29 =	sshrl.u32 s8, $0x3  }
0xc: {  	s9 =	sadd.s32 s9, s10;
	s13 =	ssub.s32 s5, s30;
	s14 =	sadd.s32 s8, s2  }
0xd: {  	s15 =	sadd.s32 s8, s3;
	s12 =	sadd.s32 s9, s6;
	s11 =	sadd.s32 s7, s6  }
0xe: {  	s7 =	sadd.s32 s29, s6;
	s6 =	sor.u32 $0x1C03, s31;
	s10 =	sadd.s32 $0x70400, s12  }
0xf: {  	s12 =	sshrl.u32 s14, $0x3;
	s14 =	sshrl.u32 s15, $0x3;
	s15 =	simm.s32 $0x18000  }
0x10: {  	s5 =	sadd.s32 $0x48400, s7;
	s7 =	sadd.s32 $0x5C400, s7;
	s8 =	sadd.s32 $0x3E400, s11  }
0x11: {  	s9 =	sadd.s32 $0x2400, s11;
	s11 =	smax.u32 s13, $0x1;
	s13 =	simm.s32 $0x3  }
.LBB2_1:
0x12: {  	[spmem:s12], [sflag:s6] =	dma.local [hbm:s5], $0x1400  }
0x13: {  	_ =	swait.ge [sflag:s13], $0x1400  }
0x14: {  	[sflag:s13] =	ssyncset.done $0x0  }
0x15: {  	[sflag:s13] =	ssyncadd.s32 $0xFFFFEC00  }
0x16: {  	[spmem:s14], [sflag:s6] =	dma.local [hbm:s7], $0x1400  }
0x17: {  	_ =	swait.ge [sflag:s13], $0x1400  }
0x18: {  	[sflag:s13] =	ssyncset.done $0x0  }
0x19: {  	[sflag:s13] =	ssyncadd.s32 $0xFFFFEC00  }
0x1a: {  	[tilespmem:s15], [sflag:$0x3] =	stream.linear.gather [hbm4b:s8+s4], $0x2800, $0x38;
	[tilespmem:$0x1D000] =	vst v63  }
0x1b: {  	_ =	swait.ge [sflag:s13], $0x2800  }
0x1c: {  	[sflag:s13] =	ssyncset.done $0x0  }
0x1d: {  	[sflag:s13] =	ssyncadd.s32 $0xFFFFD800  }
0x1e: {  	[tilespmem:s16], [sflag:$0x3] =	stream.linear.gather [hbm4b:s9+s4], $0x2800, $0x38;
	[tilespmem:$0x1D000] =	vst v63  }
0x1f: {  	_ =	swait.ge [sflag:s13], $0x2800  }
0x20: {  	[sflag:s13] =	ssyncset.done $0x0  }
0x21: {  	[sflag:s13] =	ssyncadd.s32 $0xFFFFD800  }
0x22: {  	[bflag:$0x0] =	sbarrier.arrive $0xFFFF  }
0x23: {  	[tilespmem:s18], [sflag:$0x1] =	stream.indirect.gather [spmem:s2], $0x40, s15, s17, $0xb8;
	[tilespmem:$0x1D000] =	vst v63  }
0x24: {  	s26 =	simm.s32 $0x18080  }
0x25: {  	[tilespmem:s19], [sflag:$0x2] =	stream.indirect.gather [spmem:s2], $0x40, s26, s17, $0xb8;
	[tilespmem:$0x1D000] =	vst v63  }
0x26: {  	_ =	swait.ge [sflag:s20], $0x2000  }
0x27: {  	[sflag:s20] =	ssyncset.done $0x0  }
0x28: {  	s29 =	simm.s32 $0x1A800;
	[sflag:s20] =	ssyncadd.s32 $0xFFFFE000  }
0x29: {  	[spmem:s3] =	stream.indirect.scatter.add.f32 [tilespmem:s18], [sflag:$0x3], $0x40, s29, s17, $0xb8;
	[tilespmem:$0x1D000] =	vst v63  }
0x2a: {  	_ =	swait.ge [sflag:s13], $0x2000  }
0x2b: {  	[sflag:s13] =	ssyncset.done $0x0  }
0x2c: {  	s30 =	simm.s32 $0x18100;
	[sflag:s13] =	ssyncadd.s32 $0xFFFFE000  }
0x2d: {  	[tilespmem:s18], [sflag:$0x1] =	stream.indirect.gather [spmem:s2], $0x40, s30, s17, $0xb8;
	[tilespmem:$0x1D000] =	vst v63  }
0x2e: {  	_ =	swait.ge [sflag:s21], $0x2000  }
0x2f: {  	[sflag:s21] =	ssyncset.done $0x0  }
0x30: {  	s31 =	simm.s32 $0x1A880;
	[sflag:s21] =	ssyncadd.s32 $0xFFFFE000  }
0x31: {  	[spmem:s3] =	stream.indirect.scatter.add.f32 [tilespmem:s19], [sflag:$0x3], $0x40, s31, s17, $0xb8;
	[tilespmem:$0x1D000] =	vst v63  }
0x32: {  	_ =	swait.ge [sflag:s13], $0x2000  }
0x33: {  	s28 =	simm.s32 $0x800;
	s26 =	simm.s32 $0x100;
	[sflag:s13] =	ssyncset.done $0x0  }
.LBB2_2:
0x34: {  	s29 =	sadd.s32 $0x18080, s26  }
0x35: {  	[sflag:s13] =	ssyncadd.s32 $0xFFFFE000;
	s30 =	smov.u32 s28;
	s31 =	sadd.s32 $0x400, s28  }
0x36: {  	[tilespmem:s19], [sflag:$0x2] =	stream.indirect.gather [spmem:s2], $0x40, s29, s17, $0xb8;
	[tilespmem:$0x1D000] =	vst v63  }
0x37: {  	p0 =	sne.s32 s28, $0x9800;
	_ =	swait.ge [sflag:s20], $0x2000  }
0x38: {  	[sflag:s20] =	ssyncset.done $0x0  }
0x39: {  	s28 =	sadd.s32 $0x1A800, s26;
	[sflag:s20] =	ssyncadd.s32 $0xFFFFE000  }
0x3a: {  	[spmem:s3] =	stream.indirect.scatter.add.f32 [tilespmem:s18], [sflag:$0x3], $0x40, s28, s17, $0xb8;
	[tilespmem:$0x1D000] =	vst v63  }
0x3b: {  	_ =	swait.ge [sflag:s13], $0x2000  }
0x3c: {  	[sflag:s13] =	ssyncset.done $0x0  }
0x3d: {  	s28 =	sadd.s32 $0x18100, s26;
	[sflag:s13] =	ssyncadd.s32 $0xFFFFE000  }
0x3e: {  	[tilespmem:s18], [sflag:$0x1] =	stream.indirect.gather [spmem:s2], $0x40, s28, s17, $0xb8;
	[tilespmem:$0x1D000] =	vst v63  }
0x3f: {  	_ =	swait.ge [sflag:s21], $0x2000  }
.Ltmp0:
0x40: {  	[sflag:s21] =	ssyncset.done $0x0;
	(pc) =	sbr.rel @p0 .LBB2_2-.Ltmp0, $4  }
0x41: {  	s26 =	sadd.s32 $0x1A880, s26;
	[sflag:s21] =	ssyncadd.s32 $0xFFFFE000  }
0x42: {  	[spmem:s3] =	stream.indirect.scatter.add.f32 [tilespmem:s19], [sflag:$0x3], $0x40, s26, s17, $0xb8;
	[tilespmem:$0x1D000] =	vst v63  }
0x43: {  	_ =	swait.ge [sflag:s13], $0x2000  }
0x44: {  	s28 =	smov.u32 s31;
	s26 =	sshra.s32 s30, $0x2;
	[sflag:s13] =	ssyncset.done $0x0  }
0x45: {  	s28 =	sadd.s32 $0x18080, s26;
	[sflag:s13] =	ssyncadd.s32 $0xFFFFE000  }
0x46: {  	[tilespmem:s19], [sflag:$0x2] =	stream.indirect.gather [spmem:s2], $0x40, s28, s17, $0xb8;
	[tilespmem:$0x1D000] =	vst v63  }
0x47: {  	_ =	swait.ge [sflag:s20], $0x2000  }
0x48: {  	[sflag:s20] =	ssyncset.done $0x0  }
0x49: {  	s29 =	sadd.s32 $0x1A800, s26;
	[sflag:s20] =	ssyncadd.s32 $0xFFFFE000  }
0x4a: {  	[spmem:s3] =	stream.indirect.scatter.add.f32 [tilespmem:s18], [sflag:$0x3], $0x40, s29, s17, $0xb8;
	[tilespmem:$0x1D000] =	vst v63  }
0x4b: {  	_ =	swait.ge [sflag:s13], $0x2000  }
0x4c: {  	[sflag:s13] =	ssyncset.done $0x0  }
0x4d: {  	s30 =	sadd.s32 $0x18100, s26;
	[sflag:s13] =	ssyncadd.s32 $0xFFFFE000  }
0x4e: {  	[tilespmem:s18], [sflag:$0x1] =	stream.indirect.gather [spmem:s2], $0x40, s30, s17, $0xb8;
	[tilespmem:$0x1D000] =	vst v63  }
0x4f: {  	_ =	swait.ge [sflag:s21], $0x2000  }
0x50: {  	[sflag:s21] =	ssyncset.done $0x0  }
0x51: {  	s31 =	sadd.s32 $0x1A880, s26;
	[sflag:s21] =	ssyncadd.s32 $0xFFFFE000  }
0x52: {  	[spmem:s3] =	stream.indirect.scatter.add.f32 [tilespmem:s19], [sflag:$0x3], $0x40, s31, s17, $0xb8;
	[tilespmem:$0x1D000] =	vst v63  }
0x53: {  	_ =	swait.ge [sflag:s13], $0x2000  }
0x54: {  	[sflag:s13] =	ssyncset.done $0x0  }
0x55: {  	[sflag:s13] =	ssyncadd.s32 $0xFFFFE000  }
0x56: {  	[tilespmem:s19], [sflag:$0x2] =	stream.indirect.gather [spmem:s2], $0x40, s22, s17, $0xb8;
	[tilespmem:$0x1D000] =	vst v63  }
0x57: {  	_ =	swait.ge [sflag:s20], $0x2000  }
0x58: {  	[sflag:s20] =	ssyncset.done $0x0  }
0x59: {  	[sflag:s20] =	ssyncadd.s32 $0xFFFFE000  }
0x5a: {  	[spmem:s3] =	stream.indirect.scatter.add.f32 [tilespmem:s18], [sflag:$0x3], $0x40, s23, s17, $0xb8;
	[tilespmem:$0x1D000] =	vst v63  }
0x5b: {  	_ =	swait.ge [sflag:s13], $0x2000  }
0x5c: {  	[sflag:s13] =	ssyncset.done $0x0  }
0x5d: {  	[sflag:s13] =	ssyncadd.s32 $0xFFFFE000  }
0x5e: {  	_ =	swait.ge [sflag:s21], $0x2000  }
0x5f: {  	[sflag:s21] =	ssyncset.done $0x0  }
0x60: {  	[sflag:s21] =	ssyncadd.s32 $0xFFFFE000  }
0x61: {  	[spmem:s3] =	stream.indirect.scatter.add.f32 [tilespmem:s19], [sflag:$0x3], $0x40, s24, s17, $0xb8;
	[tilespmem:$0x1D000] =	vst v63  }
0x62: {  	_ =	swait.ge [sflag:s13], $0x2000  }
0x63: {  	s25 =	sadd.s32 $0x1, s25;
	[sflag:s13] =	ssyncset.done $0x0  }
0x64: {  	p0 =	sne.s32 s25, s11;
	[sflag:s13] =	ssyncadd.s32 $0xFFFFE000  }
.Ltmp1:
0x65: {  	[bflag:$0x0] =	sbarrier.arrive $0xFFFF;
	(pc) =	sbr.rel @p0 .LBB2_1-.Ltmp1, $4  }
0x66: {  	[hbm:s10], [sflag:s6] =	dma.local [spmem:s14], $0x1400  }
0x67: {  	_ =	swait.ge [sflag:s13], $0x1400  }
0x68: {  	[sflag:s13] =	ssyncset.done $0x0  }
0x69: {  	[sflag:s13] =	ssyncadd.s32 $0xFFFFEC00  }
0x6a: {  	_ =	sfence.sel $0x180000  }
0x6b: {  	[bflag:$0x0] =	sbarrier.arrive $0xFFFF  }
0x6c: {  	p0 =	sne.s32 s0, $0x0;
	_ =	strace $0x9000004A  }
0x6d: {  	s0 =	sadd.s32 @!p0 $0x100000, s1;
	[bflag:$0x2] =	sbarrier.arrive $0xFFFF  }
0x6e: {  	[sflag:s0] =	ssyncadd.tile.s32 @!p0 $0x1;
	_ =	shalt  }
.Lfunc_end2:
_tile_overlayer_lowered:
.L_overlay_start_2:
0x6f: {  	(tag) =	ssettag $0x2  }
0x70: {  	s0 =	rddreg [dreg:$0x0];
	s2 =	stileid.u32  }
0x71: {  	s1 =	rddreg [dreg:$0x1];
	p0 =	sne.s32 s2, $0x0  }
0x72: {  	s3 =	rddreg [dreg:$0x2];
	[bflag:$0x3] =	sbarrier.arrive $0xFFFF;
	s2 =	simm.s32 @!p0 $0x1C03  }
0x73: {  	[timem:s3], [sflag:s2] =	dma.local @!p0 [hbm:s0], s1  }
0x74: {  	s0 =	simm.s32 @!p0 $0x3  }
0x75: {  	_ =	swait.ge @!p0 [sflag:s0], s1  }
0x76: {  	s1 =	ssub.s32 @!p0 $0x0, s1;
	[sflag:s0] =	ssyncset.done @!p0 $0x0  }
0x77: {  	[sflag:s0] =	ssyncadd.s32 @!p0 s1  }
0x78: {  	[bflag:$0x3] =	sbarrier.arrive $0xFFFF  }
0x79: {  	_ =	shalt  }

// kernel: gcn_edge_scatter_sc.7.cloned.1.call-start
scs
__scs_entry_jumppad:
0x0: {  	(pc) =	sbr.rel $0x88, $3  }
0x1: {  	(tag) =	ssettag $0x0;
	lr =	simm.s32 $0x1  }
0x2: {  	[smem:$0x3F99] =	sst lr;
	_ =	strace $0xD0000000  }
0x3: {  	_ = 	snop  }
0x4: {  	_ = 	snop  }
0x5: {  	_ = 	snop  }
0x6: {  	_ = 	snop  }
0x7: {  	_ = 	snop  }
__scs_overlays_trampoline_lowered:
0x8: {  	[smem:$0x3FA8] =	sst s0  }
0x9: {  	[smem:$0x3FA9] =	sst s1  }
0xa: {  	[smem:$0x3FAA] =	sst s2  }
0xb: {  	[smem:$0x3FAB] =	sst s3  }
0xc: {  	[smem:$0x3FAC] =	sst s4  }
0xd: {  	[smem:$0x3FAD] =	sst s5  }
0xe: {  	[smem:$0x3FAE] =	sst s6  }
0xf: {  	[smem:$0x3FAF] =	sst s7  }
0x10: {  	[smem:$0x3FB0] =	sst s8  }
0x11: {  	[smem:$0x3FB1] =	sst s9;
	s0 =	simm.s32 @!p0 $0x0  }
0x12: {  	s1 =	sld [smem:$0x3F97];
	s0 =	simm.s32 @p0 $0x1  }
0x13: {  	[smem:$0x3FB2] =	sst s0;
	s0 =	simm.s32 @!p1 $0x0  }
0x14: {  	s2 =	sld [smem:$0x3F96];
	s0 =	simm.s32 @p1 $0x1  }
0x15: {  	[smem:$0x3FB3] =	sst s0;
	s0 =	simm.s32 @!p2 $0x0  }
0x16: {  	s3 =	sld [smem:$0x3FDB];
	s0 =	simm.s32 @p2 $0x1  }
0x17: {  	s4 =	simm.s32 $0x1BF5;
	[smem:$0x3FB5] =	sst s0  }
0x18: {  	s0 =	sld [smem:$0x3F98];
	_ =	swait.ge [sflag:s4], $0x0  }
0x19: {  	s7 =	sld [smem:$0x3F99]  }
0x1a: {  	s8 =	sadd.s32 $0xFFFFE003, lr  }
0x1b: {  	s9 =	sadd.s32 $0xFFFFFEF7, lr;
	s5 =	simm.s32 $0xFFFFFFFF;
	p2 =	slt.u32 s8, $0xFFFFF086  }
0x1c: {  	p1 =	slt.u32 s9, $0xF7A;
	s5 =	simm.s32 @!p2 $0x0  }
0x1d: {  	s5 =	simm.s32 @p1 $0x1;
	p0 =	seq.s32 s7, s2  }
0x1e: {  	s7 =	smul.u32 @!p0 $0xF7A, s2;
	p2 =	seq.s32 @!p0 s5, $0x0  }
0x1f: {  	s9 =	smul.u32 $0xF7A, s1;
	s8 =	simm.s32 @!p0 $0x1BF5;
	p2 =	por !p2, p0  }
0x20: {  	[sflag:s8] =	ssyncset.s32 @!p0 $0xFFFFF086;
	s6 =	sadd.s32 @!p0 s3, s7;
	s7 =	simm.s32 @!p0 $0x108  }
0x21: {  	s3 =	sadd.s32 s3, s9;
	s6 =	sadd.s32 @!p0 $0x88, s6;
	s7 =	simm.s32 @p2 $0x1082  }
0x22: {  	[simem:s7], [sflag:s8] =	dma.local @!p0 [hbm:s6], $0xF7A  }
0x23: {  	s9 =	sor.u32 $0xD0000000, s2;
	s6 =	simm.s32 $0x108;
	_ =	swait.ge @!p0 [sflag:s8], $0x0  }
0x24: {  	s3 =	sadd.s32 $0x88, s3;
	s6 =	simm.s32 @!p1 $0x1082;
	[sflag:s4] =	ssyncset.s32 $0xFFFFF086  }
0x25: {  	[simem:s6], [sflag:s4] =	dma.local [hbm:s3], $0xF7A  }
0x26: {  	[smem:$0x3F99] =	sst s1;
	(tag) =	ssettag s2;
	_ =	strace s9  }
0x27: {  	s1 =	sld [smem:$0x3FA9]  }
0x28: {  	s2 =	sld [smem:$0x3FAA]  }
0x29: {  	s4 =	sld [smem:$0x3FAC]  }
0x2a: {  	p0 =	seq.s32 s5, $0x0;
	s5 =	sld [smem:$0x3FAD]  }
0x2b: {  	s6 =	sld [smem:$0x3FAE]  }
0x2c: {  	s7 =	sld [smem:$0x3FAF]  }
0x2d: {  	s3 =	simm.s32 $0x108;
	s8 =	sld [smem:$0x3FB0]  }
0x2e: {  	s3 =	simm.s32 @!p0 $0x1082;
	s9 =	sld [smem:$0x3FB1]  }
0x2f: {  	lr =	sadd.s32 s0, s3;
	s0 =	sld [smem:$0x3FA8]  }
0x30: {  	s3 =	sld [smem:$0x3FAB]  }
0x31: {  	[smem:$0x3FB4] =	sst s10  }
0x32: {  	s10 =	sld [smem:$0x3FB2];
	_ =	sdelay $0x3  }
0x33: {  	p0 =	seq.s32 s10, $0x1;
	s10 =	sld [smem:$0x3FB4];
	_ =	sdelay $0x3  }
0x34: {  	[smem:$0x3FB4] =	sst s10  }
0x35: {  	s10 =	sld [smem:$0x3FB3];
	_ =	sdelay $0x3  }
0x36: {  	p1 =	seq.s32 s10, $0x1;
	s10 =	sld [smem:$0x3FB4];
	_ =	sdelay $0x3  }
0x37: {  	[smem:$0x3FB4] =	sst s10  }
0x38: {  	s10 =	sld [smem:$0x3FB5]  }
0x39: {  	_ = 	snop;
	(pc) =	sbr.ind lr, $3  }
0x3a: {  	_ = 	snop  }
0x3b: {  	_ = 	snop  }
0x3c: {  	p2 =	seq.s32 s10, $0x1;
	s10 =	sld [smem:$0x3FB4]  }
0x3d: {  	_ =	shalt  }
0x3e: {  	_ =	shalt  }
0x3f: {  	_ =	shalt  }
0x40: {  	_ =	shalt  }
0x41: {  	_ =	shalt  }
0x42: {  	_ =	shalt  }
0x43: {  	_ =	shalt  }
0x44: {  	_ =	shalt  }
0x45: {  	_ =	shalt  }
0x46: {  	_ =	shalt  }
0x47: {  	_ =	shalt  }
0x48: {  	_ =	shalt  }
0x49: {  	_ =	shalt  }
0x4a: {  	_ =	shalt  }
0x4b: {  	_ =	shalt  }
0x4c: {  	_ =	shalt  }
0x4d: {  	_ =	shalt  }
0x4e: {  	_ =	shalt  }
0x4f: {  	_ =	shalt  }
0x50: {  	_ =	shalt  }
0x51: {  	_ =	shalt  }
0x52: {  	_ =	shalt  }
0x53: {  	_ =	shalt  }
0x54: {  	_ =	shalt  }
0x55: {  	_ =	shalt  }
0x56: {  	_ =	shalt  }
0x57: {  	_ =	shalt  }
0x58: {  	_ =	shalt  }
0x59: {  	_ =	shalt  }
0x5a: {  	_ =	shalt  }
0x5b: {  	_ =	shalt  }
0x5c: {  	_ =	shalt  }
0x5d: {  	_ =	shalt  }
0x5e: {  	_ =	shalt  }
0x5f: {  	_ =	shalt  }
0x60: {  	_ =	shalt  }
0x61: {  	_ =	shalt  }
0x62: {  	_ =	shalt  }
0x63: {  	_ =	shalt  }
0x64: {  	_ =	shalt  }
0x65: {  	_ =	shalt  }
0x66: {  	_ =	shalt  }
0x67: {  	_ =	shalt  }
0x68: {  	_ =	shalt  }
0x69: {  	_ =	shalt  }
0x6a: {  	_ =	shalt  }
0x6b: {  	_ =	shalt  }
0x6c: {  	_ =	shalt  }
0x6d: {  	_ =	shalt  }
0x6e: {  	_ =	shalt  }
0x6f: {  	_ =	shalt  }
0x70: {  	_ =	shalt  }
0x71: {  	_ =	shalt  }
0x72: {  	_ =	shalt  }
0x73: {  	_ =	shalt  }
0x74: {  	_ =	shalt  }
0x75: {  	_ =	shalt  }
0x76: {  	_ =	shalt  }
0x77: {  	_ =	shalt  }
0x78: {  	_ =	shalt  }
0x79: {  	_ =	shalt  }
0x7a: {  	_ =	shalt  }
0x7b: {  	_ =	shalt  }
0x7c: {  	_ =	shalt  }
0x7d: {  	_ =	shalt  }
0x7e: {  	_ =	shalt  }
0x7f: {  	_ =	shalt  }
0x80: {  	_ =	shalt  }
0x81: {  	_ =	shalt  }
0x82: {  	_ =	shalt  }
0x83: {  	_ =	shalt  }
0x84: {  	_ =	shalt  }
0x85: {  	_ =	shalt  }
0x86: {  	_ =	shalt  }
0x87: {  	_ =	shalt  }
.Lfunc_end0:
.L_simem_size_0:
called_computation.2_lowered:
.L_overlay_start_0:
0x88: {  	s2 =	sld [smem:$0x3FD9]  }
0x89: {  	s3 =	sld [smem:$0x3FFE];
	_ =	sdelay $0x1  }
0x8a: {  	s1 =	srdreg.scid  }
0x8b: {  	s0 =	sand.u32 $0x1, s1  }
0x8c: {  	s16 =	sshll.u32 s0, $0xA;
	s2 =	sadd.s32 s3, s2  }
0x8d: {  	s2 =	sadd.s32 s2, s16  }
0x8e: {  	[smem:$0x3FC0] =	sst s2  }
0x8f: {  	_ = 	snop  }
0x90: {  	(tm) =	ssettm $0x1  }
0x91: {  	s17 =	sld [smem:$0x3FFB];
	_ =	sdelay $0x3  }
0x92: {  	_ =	strace s17  }
0x93: {  	s2 =	sld [smem:$0x3FFC];
	_ =	sdelay $0x3  }
0x94: {  	_ =	strace s2  }
0x95: {  	s2 =	sld [smem:$0x3FFD];
	_ =	sdelay $0x3  }
0x96: {  	_ =	strace s2  }
0x97: {  	_ =	strace $0x8FFFFFFF  }
0x98: {  	s18 =	sld [smem:$0x3FDB];
	_ =	sdelay $0x1  }
0x99: {  	s19 =	simm.s32 $_scs_section_size  }
0x9a: {  	s4 =	simm.s32 $_size__tile_overlayer_lowered;
	s5 =	simm.s32 $_tile_overlayer_lowered  }
0x9b: {  	s22 =	simm.s32 $0x1BFF;
	s21 =	sshll.u32 s5, $0x1;
	s2 =	sadd.s32 s19, s18  }
0x9c: {  	s6 =	simm.s32 $0x0;
	s20 =	sshll.u32 s4, $0x1;
	s4 =	sadd.s32 s21, s2  }
0x9d: {  	[timem:s6], [sflag:s22] =	dma.local [hbm:s4], s20  }
0x9e: {  	_ =	swait.ge [sflag:s22], s20  }
0x9f: {  	s3 =	ssub.s32 $0x0, s20;
	[sflag:s22] =	ssyncset.done $0x0  }
0xa0: {  	[sflag:s22] =	ssyncadd.s32 s3;
	_ =	sdelay $0x1  }
0xa1: {  	s23 =	simm.s32 $0x1B8B  }
0xa2: {  	_ =	swait.ge [sflag:s23], $0x1  }
0xa3: {  	[sflag:s23] =	ssyncset.done $0x0  }
0xa4: {  	s25 =	simm.s32 $0x1B8E;
	s24 =	sld [smem:$0x3FFE];
	[sflag:s23] =	ssyncadd.s32 $0xFFFFFFFF  }
0xa5: {  	s26 =	simm.s32 $execute0_lowered;
	[smem:$0x3FD2] =	sst s25  }
0xa6: {  	s4 =	sshll.u32 s26, $0x1;
	_ =	strace $0x8000004C;
	[dreg:$0x1] =	wrdreg $0xFFFFFFFF  }
0xa7: {  	s28 =	simm.s32 $_size_execute0_lowered;
	s2 =	sadd.s32 s2, s4;
	[dreg:$0x0] =	wrdreg $0x0  }
0xa8: {  	s4 =	sshll.u32 s28, $0x1;
	[dreg:$0x2] =	wrdreg s2  }
0xa9: {  	[dreg:$0x3] =	wrdreg s4  }
0xaa: {  	[dreg:$0x4] =	wrdreg $0xC0  }
0xab: {  	_ =	task [dreg:s6], $0x5FFFF  }
0xac: {  	[dreg:$0x1] =	wrdreg $0xFFFFFFFF  }
0xad: {  	[dreg:$0x0] =	wrdreg $0x60  }
0xae: {  	[dreg:$0x2] =	wrdreg s24  }
0xaf: {  	[dreg:$0x3] =	wrdreg $0x0  }
0xb0: {  	[dreg:$0x4] =	wrdreg $0xA0000  }
0xb1: {  	[dreg:$0x5] =	wrdreg $0x9  }
0xb2: {  	_ =	task.clear_ibuf [dreg:s6], $0x6FFFF;
	_ =	strace $0x9000004C  }
0xb3: {  	s29 =	simm.s32 $0x9;
	_ =	strace $0x8000004E  }
0xb4: {  	_ =	swait.ge [sflag:s29], $0x1  }
0xb5: {  	[sflag:s29] =	ssyncadd.s32 $0xFFFFFFFF  }
0xb6: {  	_ =	strace $0x9000004E  }
0xb7: {  	_ =	sfence  }
0xb8: {  	s30 =	sld [smem:$0x0];
	_ =	sdelay $0x2  }
0xb9: {  	s31 =	sshll.u32 s1, $0xD;
	s1 =	sshrl.u32 s1, $0x2  }
0xba: {  	s3 =	sand.u32 $0x4000, s31;
	s1 =	sadd.s32 s1, s30  }
0xbb: {  	s0 =	sor.u32 s3, s0;
	s1 =	sshll.u32 s1, $0x11  }
0xbc: {  	s0 =	sor.u32 s1, s0  }
0xbd: {  	s0 =	sadd.s32 $0x8F2B, s0  }
0xbe: {  	[sflag:s0] =	ssyncadd.remote.s32 $0x1  }
0xbf: {  	_ =	sfence.sel $0xFFFF  }
0xc0: {  	[dreg:$0x0] =	wrdreg $0xFFFFFFFF;
	(pc) =	sbr.abs _section_cstart, $3  }
0xc1: {  	[dreg:$0x1] =	wrdreg $0xFFFFFFFF  }
0xc2: {  	_ =	task.clear_ibuf [dreg:s6], $0x2FFFF;
	_ =	strace $0x9FFFFFFF  }
0xc3: {  	(tm) =	ssettm $0x7FFFFFFF  }
tec
execute0_lowered:
.L_overlay_start_1:
0x0: {  	(tag) =	ssettag $0x1  }
0x1: {  	s6 =	rddreg [dreg:$0x0]  }
0x2: {  	s0 =	srdreg.scid;
	s2 =	rddreg [dreg:$0x1]  }
0x3: {  	s3 =	rddreg [dreg:$0x2];
	s4 =	simm.s32 $0x0;
	s16 =	simm.s32 $0x1A800  }
0x4: {  	s17 =	simm.s32 $0x80;
	s18 =	simm.s32 $0x14000;
	s19 =	simm.s32 $0x16000  }
0x5: {  	s20 =	simm.s32 $0x1;
	s21 =	simm.s32 $0x2;
	s22 =	simm.s32 $0x1A780  }
0x6: {  	s23 =	simm.s32 $0x1CF00;
	s5 =	sand.u32 $0x1, s0;
	s0 =	stileid.u32  }
0x7: {  	s24 =	simm.s32 $0x1CF80;
	s25 =	simm.s32 $0x0;
	s8 =	smul.u32 $0xA000, s0  }
0x8: {  	[smem:$0x7FF] =	sst s4;
	s1 =	sshll.u32 s5, $0x4;
	s9 =	smul.u32 $0x1400, s0  }
0x9: {  	s10 =	smul.u32 $0x14000, s5;
	s5 =	ssub.s32 $0x2, s5;
	s1 =	sor.u32 s0, s1  }
0xa: {  	s31 =	sshll.u32 s0, $0x6;
	s30 =	sshrl.u32 s5, $0x1;
	s7 =	smul.u32 $0x500, s1  }
0xb: {  	s1 =	rddreg [dreg:$0x3];
	_ =	strace $0x8000004D;
	s29 =	sshrl.u32 s8, $0x3  }
0xc: {  	s9 =	sadd.s32 s9, s10;
	s13 =	ssub.s32 s5, s30;
	s14 =	sadd.s32 s8, s2  }
0xd: {  	s15 =	sadd.s32 s8, s3;
	s12 =	sadd.s32 s9, s6;
	s11 =	sadd.s32 s7, s6  }
0xe: {  	s7 =	sadd.s32 s29, s6;
	s6 =	sor.u32 $0x1C03, s31;
	s10 =	sadd.s32 $0x70400, s12  }
0xf: {  	s12 =	sshrl.u32 s14, $0x3;
	s14 =	sshrl.u32 s15, $0x3;
	s15 =	simm.s32 $0x18000  }
0x10: {  	s5 =	sadd.s32 $0x48400, s7;
	s7 =	sadd.s32 $0x5C400, s7;
	s8 =	sadd.s32 $0x3E400, s11  }
0x11: {  	s9 =	sadd.s32 $0x2400, s11;
	s11 =	smax.u32 s13, $0x1;
	s13 =	simm.s32 $0x3  }
.LBB2_1:
0x12: {  	[spmem:s12], [sflag:s6] =	dma.local [hbm:s5], $0x1400  }
0x13: {  	_ =	swait.ge [sflag:s13], $0x1400  }
0x14: {  	[sflag:s13] =	ssyncset.done $0x0  }
0x15: {  	[sflag:s13] =	ssyncadd.s32 $0xFFFFEC00  }
0x16: {  	[spmem:s14], [sflag:s6] =	dma.local [hbm:s7], $0x1400  }
0x17: {  	_ =	swait.ge [sflag:s13], $0x1400  }
0x18: {  	[sflag:s13] =	ssyncset.done $0x0  }
0x19: {  	[sflag:s13] =	ssyncadd.s32 $0xFFFFEC00  }
0x1a: {  	[tilespmem:s15], [sflag:$0x3] =	stream.linear.gather [hbm4b:s8+s4], $0x2800, $0x38;
	[tilespmem:$0x1D000] =	vst v63  }
0x1b: {  	_ =	swait.ge [sflag:s13], $0x2800  }
0x1c: {  	[sflag:s13] =	ssyncset.done $0x0  }
0x1d: {  	[sflag:s13] =	ssyncadd.s32 $0xFFFFD800  }
0x1e: {  	[tilespmem:s16], [sflag:$0x3] =	stream.linear.gather [hbm4b:s9+s4], $0x2800, $0x38;
	[tilespmem:$0x1D000] =	vst v63  }
0x1f: {  	_ =	swait.ge [sflag:s13], $0x2800  }
0x20: {  	[sflag:s13] =	ssyncset.done $0x0  }
0x21: {  	[sflag:s13] =	ssyncadd.s32 $0xFFFFD800  }
0x22: {  	[bflag:$0x0] =	sbarrier.arrive $0xFFFF  }
0x23: {  	[tilespmem:s18], [sflag:$0x1] =	stream.indirect.gather [spmem:s2], $0x40, s15, s17, $0xb8;
	[tilespmem:$0x1D000] =	vst v63  }
0x24: {  	s26 =	simm.s32 $0x18080  }
0x25: {  	[tilespmem:s19], [sflag:$0x2] =	stream.indirect.gather [spmem:s2], $0x40, s26, s17, $0xb8;
	[tilespmem:$0x1D000] =	vst v63  }
0x26: {  	_ =	swait.ge [sflag:s20], $0x2000  }
0x27: {  	[sflag:s20] =	ssyncset.done $0x0  }
0x28: {  	s29 =	simm.s32 $0x1A800;
	[sflag:s20] =	ssyncadd.s32 $0xFFFFE000  }
0x29: {  	[spmem:s3] =	stream.indirect.scatter.add.f32 [tilespmem:s18], [sflag:$0x3], $0x40, s29, s17, $0xb8;
	[tilespmem:$0x1D000] =	vst v63  }
0x2a: {  	_ =	swait.ge [sflag:s13], $0x2000  }
0x2b: {  	[sflag:s13] =	ssyncset.done $0x0  }
0x2c: {  	s30 =	simm.s32 $0x18100;
	[sflag:s13] =	ssyncadd.s32 $0xFFFFE000  }
0x2d: {  	[tilespmem:s18], [sflag:$0x1] =	stream.indirect.gather [spmem:s2], $0x40, s30, s17, $0xb8;
	[tilespmem:$0x1D000] =	vst v63  }
0x2e: {  	_ =	swait.ge [sflag:s21], $0x2000  }
0x2f: {  	[sflag:s21] =	ssyncset.done $0x0  }
0x30: {  	s31 =	simm.s32 $0x1A880;
	[sflag:s21] =	ssyncadd.s32 $0xFFFFE000  }
0x31: {  	[spmem:s3] =	stream.indirect.scatter.add.f32 [tilespmem:s19], [sflag:$0x3], $0x40, s31, s17, $0xb8;
	[tilespmem:$0x1D000] =	vst v63  }
0x32: {  	_ =	swait.ge [sflag:s13], $0x2000  }
0x33: {  	s28 =	simm.s32 $0x800;
	s26 =	simm.s32 $0x100;
	[sflag:s13] =	ssyncset.done $0x0  }
.LBB2_2:
0x34: {  	s29 =	sadd.s32 $0x18080, s26  }
0x35: {  	[sflag:s13] =	ssyncadd.s32 $0xFFFFE000;
	s30 =	smov.u32 s28;
	s31 =	sadd.s32 $0x400, s28  }
0x36: {  	[tilespmem:s19], [sflag:$0x2] =	stream.indirect.gather [spmem:s2], $0x40, s29, s17, $0xb8;
	[tilespmem:$0x1D000] =	vst v63  }
0x37: {  	p0 =	sne.s32 s28, $0x9800;
	_ =	swait.ge [sflag:s20], $0x2000  }
0x38: {  	[sflag:s20] =	ssyncset.done $0x0  }
0x39: {  	s28 =	sadd.s32 $0x1A800, s26;
	[sflag:s20] =	ssyncadd.s32 $0xFFFFE000  }
0x3a: {  	[spmem:s3] =	stream.indirect.scatter.add.f32 [tilespmem:s18], [sflag:$0x3], $0x40, s28, s17, $0xb8;
	[tilespmem:$0x1D000] =	vst v63  }
0x3b: {  	_ =	swait.ge [sflag:s13], $0x2000  }
0x3c: {  	[sflag:s13] =	ssyncset.done $0x0  }
0x3d: {  	s28 =	sadd.s32 $0x18100, s26;
	[sflag:s13] =	ssyncadd.s32 $0xFFFFE000  }
0x3e: {  	[tilespmem:s18], [sflag:$0x1] =	stream.indirect.gather [spmem:s2], $0x40, s28, s17, $0xb8;
	[tilespmem:$0x1D000] =	vst v63  }
0x3f: {  	_ =	swait.ge [sflag:s21], $0x2000  }
.Ltmp0:
0x40: {  	[sflag:s21] =	ssyncset.done $0x0;
	(pc) =	sbr.rel @p0 .LBB2_2-.Ltmp0, $4  }
0x41: {  	s26 =	sadd.s32 $0x1A880, s26;
	[sflag:s21] =	ssyncadd.s32 $0xFFFFE000  }
0x42: {  	[spmem:s3] =	stream.indirect.scatter.add.f32 [tilespmem:s19], [sflag:$0x3], $0x40, s26, s17, $0xb8;
	[tilespmem:$0x1D000] =	vst v63  }
0x43: {  	_ =	swait.ge [sflag:s13], $0x2000  }
0x44: {  	s28 =	smov.u32 s31;
	s26 =	sshra.s32 s30, $0x2;
	[sflag:s13] =	ssyncset.done $0x0  }
0x45: {  	s28 =	sadd.s32 $0x18080, s26;
	[sflag:s13] =	ssyncadd.s32 $0xFFFFE000  }
0x46: {  	[tilespmem:s19], [sflag:$0x2] =	stream.indirect.gather [spmem:s2], $0x40, s28, s17, $0xb8;
	[tilespmem:$0x1D000] =	vst v63  }
0x47: {  	_ =	swait.ge [sflag:s20], $0x2000  }
0x48: {  	[sflag:s20] =	ssyncset.done $0x0  }
0x49: {  	s29 =	sadd.s32 $0x1A800, s26;
	[sflag:s20] =	ssyncadd.s32 $0xFFFFE000  }
0x4a: {  	[spmem:s3] =	stream.indirect.scatter.add.f32 [tilespmem:s18], [sflag:$0x3], $0x40, s29, s17, $0xb8;
	[tilespmem:$0x1D000] =	vst v63  }
0x4b: {  	_ =	swait.ge [sflag:s13], $0x2000  }
0x4c: {  	[sflag:s13] =	ssyncset.done $0x0  }
0x4d: {  	s30 =	sadd.s32 $0x18100, s26;
	[sflag:s13] =	ssyncadd.s32 $0xFFFFE000  }
0x4e: {  	[tilespmem:s18], [sflag:$0x1] =	stream.indirect.gather [spmem:s2], $0x40, s30, s17, $0xb8;
	[tilespmem:$0x1D000] =	vst v63  }
0x4f: {  	_ =	swait.ge [sflag:s21], $0x2000  }
0x50: {  	[sflag:s21] =	ssyncset.done $0x0  }
0x51: {  	s31 =	sadd.s32 $0x1A880, s26;
	[sflag:s21] =	ssyncadd.s32 $0xFFFFE000  }
0x52: {  	[spmem:s3] =	stream.indirect.scatter.add.f32 [tilespmem:s19], [sflag:$0x3], $0x40, s31, s17, $0xb8;
	[tilespmem:$0x1D000] =	vst v63  }
0x53: {  	_ =	swait.ge [sflag:s13], $0x2000  }
0x54: {  	[sflag:s13] =	ssyncset.done $0x0  }
0x55: {  	[sflag:s13] =	ssyncadd.s32 $0xFFFFE000  }
0x56: {  	[tilespmem:s19], [sflag:$0x2] =	stream.indirect.gather [spmem:s2], $0x40, s22, s17, $0xb8;
	[tilespmem:$0x1D000] =	vst v63  }
0x57: {  	_ =	swait.ge [sflag:s20], $0x2000  }
0x58: {  	[sflag:s20] =	ssyncset.done $0x0  }
0x59: {  	[sflag:s20] =	ssyncadd.s32 $0xFFFFE000  }
0x5a: {  	[spmem:s3] =	stream.indirect.scatter.add.f32 [tilespmem:s18], [sflag:$0x3], $0x40, s23, s17, $0xb8;
	[tilespmem:$0x1D000] =	vst v63  }
0x5b: {  	_ =	swait.ge [sflag:s13], $0x2000  }
0x5c: {  	[sflag:s13] =	ssyncset.done $0x0  }
0x5d: {  	[sflag:s13] =	ssyncadd.s32 $0xFFFFE000  }
0x5e: {  	_ =	swait.ge [sflag:s21], $0x2000  }
0x5f: {  	[sflag:s21] =	ssyncset.done $0x0  }
0x60: {  	[sflag:s21] =	ssyncadd.s32 $0xFFFFE000  }
0x61: {  	[spmem:s3] =	stream.indirect.scatter.add.f32 [tilespmem:s19], [sflag:$0x3], $0x40, s24, s17, $0xb8;
	[tilespmem:$0x1D000] =	vst v63  }
0x62: {  	_ =	swait.ge [sflag:s13], $0x2000  }
0x63: {  	s25 =	sadd.s32 $0x1, s25;
	[sflag:s13] =	ssyncset.done $0x0  }
0x64: {  	p0 =	sne.s32 s25, s11;
	[sflag:s13] =	ssyncadd.s32 $0xFFFFE000  }
.Ltmp1:
0x65: {  	[bflag:$0x0] =	sbarrier.arrive $0xFFFF;
	(pc) =	sbr.rel @p0 .LBB2_1-.Ltmp1, $4  }
0x66: {  	[hbm:s10], [sflag:s6] =	dma.local [spmem:s14], $0x1400  }
0x67: {  	_ =	swait.ge [sflag:s13], $0x1400  }
0x68: {  	[sflag:s13] =	ssyncset.done $0x0  }
0x69: {  	[sflag:s13] =	ssyncadd.s32 $0xFFFFEC00  }
0x6a: {  	_ =	sfence.sel $0x180000  }
0x6b: {  	[bflag:$0x0] =	sbarrier.arrive $0xFFFF  }
0x6c: {  	p0 =	sne.s32 s0, $0x0;
	_ =	strace $0x9000004D  }
0x6d: {  	s0 =	sadd.s32 @!p0 $0x100000, s1;
	[bflag:$0x2] =	sbarrier.arrive $0xFFFF  }
0x6e: {  	[sflag:s0] =	ssyncadd.tile.s32 @!p0 $0x1;
	_ =	shalt  }
.Lfunc_end2:
_tile_overlayer_lowered:
.L_overlay_start_2:
0x6f: {  	(tag) =	ssettag $0x2  }
0x70: {  	s0 =	rddreg [dreg:$0x0];
	s2 =	stileid.u32  }
0x71: {  	s1 =	rddreg [dreg:$0x1];
	p0 =	sne.s32 s2, $0x0  }
0x72: {  	s3 =	rddreg [dreg:$0x2];
	[bflag:$0x3] =	sbarrier.arrive $0xFFFF;
	s2 =	simm.s32 @!p0 $0x1C03  }
0x73: {  	[timem:s3], [sflag:s2] =	dma.local @!p0 [hbm:s0], s1  }
0x74: {  	s0 =	simm.s32 @!p0 $0x3  }
0x75: {  	_ =	swait.ge @!p0 [sflag:s0], s1  }
0x76: {  	s1 =	ssub.s32 @!p0 $0x0, s1;
	[sflag:s0] =	ssyncset.done @!p0 $0x0  }
0x77: {  	[sflag:s0] =	ssyncadd.s32 @!p0 s1  }
0x78: {  	[bflag:$0x3] =	sbarrier.arrive $0xFFFF  }
0x79: {  	_ =	shalt  }

</sc_bundles>
